<compile_context>
chip_gen: v7x
topology: tpu7x:2x2x1
jax: 0.10.2.dev20260603
libtpu: 0.0.44.dev20260713+nightly
codegen_flags: <defaults>
</compile_context>

<pallas_src>
import functools

import jax
import jax.numpy as jnp
from jax import lax
from jax.experimental import pallas as pl
from jax.experimental.pallas import tpu as pltpu
from jax.experimental.pallas import tpu_sc as plsc

VOCAB = 1000000
D_MODEL = 64
BATCH = 4096
CTX = 200

NC, NS = 2, 16
NW = NC * NS
TOK = BATCH * CTX
G = 128
NROW = TOK // G
RPW = NROW // NW
K = 4
NGRP = RPW // K
NBUF = 2 * K

_mesh = plsc.VectorSubcoreMesh(core_axis_name="c", subcore_axis_name="s")


@functools.partial(
    pl.kernel,
    mesh=_mesh,
    compiler_params=pltpu.CompilerParams(use_tc_tiling_on_sc=False),
    out_type=jax.ShapeDtypeStruct((NROW, G, D_MODEL), jnp.float32),
    scratch_types=(
        [pltpu.VMEM((RPW, G), jnp.int32),
         pltpu.VMEM((NBUF, G, D_MODEL), jnp.float32)]
        + [pltpu.SemaphoreType.DMA] * NBUF
        + [pltpu.SemaphoreType.DMA] * 2
    ),
)
def _emb_sc(x2_hbm, tab_hbm, out_hbm, idx_v, rows_v, *sems):
    gs = sems[:NBUF]
    ws = sems[NBUF:]
    wid = lax.axis_index("s") * NC + lax.axis_index("c")
    row0 = wid * RPW

    pltpu.sync_copy(x2_hbm.at[pl.ds(row0, RPW)], idx_v)

    def gather(g, j, half):
        s = half * K + j
        pltpu.async_copy(
            tab_hbm.at[idx_v.at[g * K + j]], rows_v.at[s], gs[s])

    def wait_gather(g, j, half):
        s = half * K + j
        pltpu.make_async_copy(
            tab_hbm.at[idx_v.at[g * K + j]], rows_v.at[s], gs[s]).wait()

    def out_start(g, half):
        pltpu.async_copy(rows_v.at[pl.ds(half * K, K)],
                         out_hbm.at[pl.ds(row0 + g * K, K)], ws[half])

    def out_wait(g, half):
        pltpu.make_async_copy(rows_v.at[pl.ds(half * K, K)],
                              out_hbm.at[pl.ds(row0 + g * K, K)],
                              ws[half]).wait()

    for j in range(K):
        gather(0, j, 0)

    def round2(r, carry):
        for half in range(2):
            g = 2 * r + half
            other = 1 - half
            @pl.when(g + 1 < NGRP)
            def _():
                @pl.when(g >= 1)
                def _():
                    out_wait(g - 1, other)
                for j in range(K):
                    gather(g + 1, j, other)
            for j in range(K):
                wait_gather(g, j, half)
            out_start(g, half)
        return carry

    lax.fori_loop(0, NGRP // 2, round2, 0)

    out_wait(NGRP - 2, 0)
    out_wait(NGRP - 1, 1)


def kernel(x, table):
    x2 = x.reshape(NROW, G)
    out = _emb_sc(x2, table)
    return out.reshape(BATCH, CTX, D_MODEL)

# --- scband reference (transcript-rebuilt; emitter-appended) ---
"""Pipeline reference for scband-vector-embeddings-81484119539746 (READ-ONLY COPY).

The authoritative reference and input builder live on the scoring server;
editing this copy changes nothing except your own understanding.
"""

import jax, jax.numpy as jnp
import numpy as np

VOCAB = 1000000
D_MODEL = 64
BATCH = 4096
CTX = 200

def setup_inputs(seed: int = 0) -> dict:
    key = jax.random.key(seed)
    k_idx, k_tab = jax.random.split(key)
    x = jax.random.randint(k_idx, (BATCH, CTX), 0, VOCAB, dtype=jnp.int64 if jax.config.jax_enable_x64 else jnp.int32)
    table = jax.random.normal(k_tab, (VOCAB, D_MODEL), dtype=jnp.float32)
    return {"x": x, "table": table}

def reference(x, table):
    # nn.Embedding forward: gather rows of the embedding table by token id
    emb = jnp.take(table, x, axis=0)  # (BATCH, CTX, D_MODEL)
    return emb

if __name__ == "__main__":
    import jax
    _d = setup_inputs()
    print(jax.jit(kernel)(*tuple(_d.values())))

</pallas_src>

<mosaic_0001>
#map = affine_map<(d0, d1) -> (0, 0)>
#map1 = affine_map<(d0, d1) -> (0, 0, 0)>
module attributes {stable_mosaic.version = 14 : i64} {
  func.func @_emb_sc(%arg0: i32, %arg1: i32, %arg2: memref<6400x128xi32, #tpu.memory_space<hbm>>, %arg3: memref<1000000x64xf32, #tpu.memory_space<hbm>>, %arg4: memref<6400x128x64xf32, #tpu.memory_space<hbm>>, %arg5: memref<200x128xi32, #tpu.memory_space<vmem>>, %arg6: memref<8x128x64xf32, #tpu.memory_space<vmem>>, %arg7: memref<!tpu.dma_semaphore, #tpu.memory_space<semaphore_mem>>, %arg8: memref<!tpu.dma_semaphore, #tpu.memory_space<semaphore_mem>>, %arg9: memref<!tpu.dma_semaphore, #tpu.memory_space<semaphore_mem>>, %arg10: memref<!tpu.dma_semaphore, #tpu.memory_space<semaphore_mem>>, %arg11: memref<!tpu.dma_semaphore, #tpu.memory_space<semaphore_mem>>, %arg12: memref<!tpu.dma_semaphore, #tpu.memory_space<semaphore_mem>>, %arg13: memref<!tpu.dma_semaphore, #tpu.memory_space<semaphore_mem>>, %arg14: memref<!tpu.dma_semaphore, #tpu.memory_space<semaphore_mem>>, %arg15: memref<!tpu.dma_semaphore, #tpu.memory_space<semaphore_mem>>, %arg16: memref<!tpu.dma_semaphore, #tpu.memory_space<semaphore_mem>>) attributes {dimension_semantics = [#tpu.dimension_semantics<core_parallel>, #tpu.dimension_semantics<subcore_parallel>], iteration_bounds = array<i64: 2, 16>, scalar_prefetch = 0 : i64, scratch_operands = 12 : i64, tpu.core_type = #tpu.core_type<sc_vector_subcore>, window_params = [{transform_indices = #map}, {transform_indices = #map}, {transform_indices = #map1}]} {
    %mul3A = arith.constant 2 : i32
    %mul3A_0 = arith.muli %arg1, %mul3A : i32
    %add3A = arith.addi %mul3A_0, %arg0 : i32
    %mul3A_1 = arith.constant 200 : i32
    %mul3A_2 = arith.muli %add3A, %mul3A_1 : i32
    "tpu.region"() ({
      %run_scoped3A = tpu.sem_alloc : memref<!tpu.dma_semaphore, #tpu.memory_space<semaphore_mem>>
      %dma_start3A_86 = arith.constant 0 : i32
      %dma_start3A_87 = tpu.memref_slice %arg2[%mul3A_2, %dma_start3A_86] : memref<6400x128xi32, #tpu.memory_space<hbm>> -> memref<200x128xi32, #tpu.memory_space<hbm>>
      %dma_start3A_88 = arith.constant 0 : i32
      %dma_start3A_89 = tpu.memref_slice %arg2[%mul3A_2, %dma_start3A_88] : memref<6400x128xi32, #tpu.memory_space<hbm>> -> memref<200x128xi32, #tpu.memory_space<hbm>>
      tpu.enqueue_dma source(%dma_start3A_89 : memref<200x128xi32, #tpu.memory_space<hbm>>) target(%arg5 : memref<200x128xi32, #tpu.memory_space<vmem>>) target_semaphore(%run_scoped3A : memref<!tpu.dma_semaphore, #tpu.memory_space<semaphore_mem>>)
      %dma_wait3A_90 = arith.constant 0 : i32
      %dma_wait3A_91 = tpu.memref_slice %arg2[%mul3A_2, %dma_wait3A_90] : memref<6400x128xi32, #tpu.memory_space<hbm>> -> memref<200x128xi32, #tpu.memory_space<hbm>>
      %dma_wait3A_92 = arith.constant 0 : i32
      %dma_wait3A_93 = tpu.memref_slice %arg2[%mul3A_2, %dma_wait3A_92] : memref<6400x128xi32, #tpu.memory_space<hbm>> -> memref<200x128xi32, #tpu.memory_space<hbm>>
      tpu.wait_dma2 semaphore(%run_scoped3A : memref<!tpu.dma_semaphore, #tpu.memory_space<semaphore_mem>>) src(%dma_wait3A_93 : memref<200x128xi32, #tpu.memory_space<hbm>>) dst(%arg5 : memref<200x128xi32, #tpu.memory_space<vmem>>)
      tpu.yield
    }) : () -> ()
    %dma_start3A = arith.constant 0 : i32
    %dma_start3A_3 = arith.constant 0 : i32
    %dma_start3A_4 = arith.constant 0 : i32
    %dma_start3A_5 = arith.constant 0 : i32
    %dma_start3A_6 = tpu.memref_slice %arg6[%dma_start3A_3, %dma_start3A_4, %dma_start3A_5] : memref<8x128x64xf32, #tpu.memory_space<vmem>> -> memref<1x128x64xf32, #tpu.memory_space<vmem>>
    %dma_start3A_7 = tpu.memref_squeeze %dma_start3A_6 : memref<1x128x64xf32, #tpu.memory_space<vmem>> -> memref<128x64xf32, #tpu.memory_space<vmem>>
    %dma_start3A_8 = arith.constant 0 : i32
    %dma_start3A_9 = tpu.memref_slice %arg5[%dma_start3A, %dma_start3A_8] : memref<200x128xi32, #tpu.memory_space<vmem>> -> memref<1x128xi32, #tpu.memory_space<vmem>>
    %dma_start3A_10 = tpu.memref_squeeze %dma_start3A_9 : memref<1x128xi32, #tpu.memory_space<vmem>> -> memref<128xi32, #tpu.memory_space<vmem>>
    %dma_start3A_11 = arith.constant 0 : i32
    %dma_start3A_12 = arith.constant 0 : i32
    %dma_start3A_13 = tpu.memref_slice %arg3[%dma_start3A_11, %dma_start3A_12] : memref<1000000x64xf32, #tpu.memory_space<hbm>> -> memref<1000000x64xf32, #tpu.memory_space<hbm>>
    tpu.enqueue_indirect_dma source(%dma_start3A_13 : memref<1000000x64xf32, #tpu.memory_space<hbm>>) target(%dma_start3A_7 : memref<128x64xf32, #tpu.memory_space<vmem>>) offsets(%dma_start3A_10 : memref<128xi32, #tpu.memory_space<vmem>>) semaphore(%arg7 : memref<!tpu.dma_semaphore, #tpu.memory_space<semaphore_mem>>)
    %dma_start3A_14 = arith.constant 1 : i32
    %dma_start3A_15 = arith.constant 1 : i32
    %dma_start3A_16 = arith.constant 0 : i32
    %dma_start3A_17 = arith.constant 0 : i32
    %dma_start3A_18 = tpu.memref_slice %arg6[%dma_start3A_15, %dma_start3A_16, %dma_start3A_17] : memref<8x128x64xf32, #tpu.memory_space<vmem>> -> memref<1x128x64xf32, #tpu.memory_space<vmem>>
    %dma_start3A_19 = tpu.memref_squeeze %dma_start3A_18 : memref<1x128x64xf32, #tpu.memory_space<vmem>> -> memref<128x64xf32, #tpu.memory_space<vmem>>
    %dma_start3A_20 = arith.constant 0 : i32
    %dma_start3A_21 = tpu.memref_slice %arg5[%dma_start3A_14, %dma_start3A_20] : memref<200x128xi32, #tpu.memory_space<vmem>> -> memref<1x128xi32, #tpu.memory_space<vmem>>
    %dma_start3A_22 = tpu.memref_squeeze %dma_start3A_21 : memref<1x128xi32, #tpu.memory_space<vmem>> -> memref<128xi32, #tpu.memory_space<vmem>>
    %dma_start3A_23 = arith.constant 0 : i32
    %dma_start3A_24 = arith.constant 0 : i32
    %dma_start3A_25 = tpu.memref_slice %arg3[%dma_start3A_23, %dma_start3A_24] : memref<1000000x64xf32, #tpu.memory_space<hbm>> -> memref<1000000x64xf32, #tpu.memory_space<hbm>>
    tpu.enqueue_indirect_dma source(%dma_start3A_25 : memref<1000000x64xf32, #tpu.memory_space<hbm>>) target(%dma_start3A_19 : memref<128x64xf32, #tpu.memory_space<vmem>>) offsets(%dma_start3A_22 : memref<128xi32, #tpu.memory_space<vmem>>) semaphore(%arg8 : memref<!tpu.dma_semaphore, #tpu.memory_space<semaphore_mem>>)
    %dma_start3A_26 = arith.constant 2 : i32
    %dma_start3A_27 = arith.constant 2 : i32
    %dma_start3A_28 = arith.constant 0 : i32
    %dma_start3A_29 = arith.constant 0 : i32
    %dma_start3A_30 = tpu.memref_slice %arg6[%dma_start3A_27, %dma_start3A_28, %dma_start3A_29] : memref<8x128x64xf32, #tpu.memory_space<vmem>> -> memref<1x128x64xf32, #tpu.memory_space<vmem>>
    %dma_start3A_31 = tpu.memref_squeeze %dma_start3A_30 : memref<1x128x64xf32, #tpu.memory_space<vmem>> -> memref<128x64xf32, #tpu.memory_space<vmem>>
    %dma_start3A_32 = arith.constant 0 : i32
    %dma_start3A_33 = tpu.memref_slice %arg5[%dma_start3A_26, %dma_start3A_32] : memref<200x128xi32, #tpu.memory_space<vmem>> -> memref<1x128xi32, #tpu.memory_space<vmem>>
    %dma_start3A_34 = tpu.memref_squeeze %dma_start3A_33 : memref<1x128xi32, #tpu.memory_space<vmem>> -> memref<128xi32, #tpu.memory_space<vmem>>
    %dma_start3A_35 = arith.constant 0 : i32
    %dma_start3A_36 = arith.constant 0 : i32
    %dma_start3A_37 = tpu.memref_slice %arg3[%dma_start3A_35, %dma_start3A_36] : memref<1000000x64xf32, #tpu.memory_space<hbm>> -> memref<1000000x64xf32, #tpu.memory_space<hbm>>
    tpu.enqueue_indirect_dma source(%dma_start3A_37 : memref<1000000x64xf32, #tpu.memory_space<hbm>>) target(%dma_start3A_31 : memref<128x64xf32, #tpu.memory_space<vmem>>) offsets(%dma_start3A_34 : memref<128xi32, #tpu.memory_space<vmem>>) semaphore(%arg9 : memref<!tpu.dma_semaphore, #tpu.memory_space<semaphore_mem>>)
    %dma_start3A_38 = arith.constant 3 : i32
    %dma_start3A_39 = arith.constant 3 : i32
    %dma_start3A_40 = arith.constant 0 : i32
    %dma_start3A_41 = arith.constant 0 : i32
    %dma_start3A_42 = tpu.memref_slice %arg6[%dma_start3A_39, %dma_start3A_40, %dma_start3A_41] : memref<8x128x64xf32, #tpu.memory_space<vmem>> -> memref<1x128x64xf32, #tpu.memory_space<vmem>>
    %dma_start3A_43 = tpu.memref_squeeze %dma_start3A_42 : memref<1x128x64xf32, #tpu.memory_space<vmem>> -> memref<128x64xf32, #tpu.memory_space<vmem>>
    %dma_start3A_44 = arith.constant 0 : i32
    %dma_start3A_45 = tpu.memref_slice %arg5[%dma_start3A_38, %dma_start3A_44] : memref<200x128xi32, #tpu.memory_space<vmem>> -> memref<1x128xi32, #tpu.memory_space<vmem>>
    %dma_start3A_46 = tpu.memref_squeeze %dma_start3A_45 : memref<1x128xi32, #tpu.memory_space<vmem>> -> memref<128xi32, #tpu.memory_space<vmem>>
    %dma_start3A_47 = arith.constant 0 : i32
    %dma_start3A_48 = arith.constant 0 : i32
    %dma_start3A_49 = tpu.memref_slice %arg3[%dma_start3A_47, %dma_start3A_48] : memref<1000000x64xf32, #tpu.memory_space<hbm>> -> memref<1000000x64xf32, #tpu.memory_space<hbm>>
    tpu.enqueue_indirect_dma source(%dma_start3A_49 : memref<1000000x64xf32, #tpu.memory_space<hbm>>) target(%dma_start3A_43 : memref<128x64xf32, #tpu.memory_space<vmem>>) offsets(%dma_start3A_46 : memref<128xi32, #tpu.memory_space<vmem>>) semaphore(%arg10 : memref<!tpu.dma_semaphore, #tpu.memory_space<semaphore_mem>>)
    %scan3A = arith.constant 0 : i32
    %scan3A_50 = arith.constant 0 : i32
    %scan3A_51 = arith.constant 25 : i32
    %scan3A_52 = arith.addi %scan3A_50, %scan3A_51 : i32
    %scan3A_53 = arith.constant 1 : i32
    scf.for %scan3A_86 = %scan3A_50 to %scan3A_52 step %scan3A_53  : i32 {
      %mul3A_87 = arith.constant 2 : i32
      %mul3A_88 = arith.muli %mul3A_87, %scan3A_86 : i32
      %add3A_89 = arith.constant 0 : i32
      %add3A_90 = arith.addi %mul3A_88, %add3A_89 : i32
      %add3A_91 = arith.constant 1 : i32
      %add3A_92 = arith.addi %add3A_90, %add3A_91 : i32
      %lt3A = arith.constant 50 : i32
      %lt3A_93 = arith.cmpi slt, %add3A_92, %lt3A : i32
      %convert_element_type3A = arith.extui %lt3A_93 : i1 to i32
      %cond3A = arith.constant 0 : i32
      %cond3A_94 = arith.cmpi ne, %convert_element_type3A, %cond3A : i32
      scf.if %cond3A_94 {
        %ge3A = arith.constant 1 : i32
        %ge3A_260 = arith.cmpi sge, %add3A_90, %ge3A : i32
        %convert_element_type3A_261 = arith.extui %ge3A_260 : i1 to i32
        %cond3A_262 = arith.constant 0 : i32
        %cond3A_263 = arith.cmpi ne, %convert_element_type3A_261, %cond3A_262 : i32
        scf.if %cond3A_263 {
          %sub3A = arith.constant 1 : i32
          %sub3A_332 = arith.subi %add3A_90, %sub3A : i32
          %mul3A_333 = arith.constant 4 : i32
          %mul3A_334 = arith.muli %sub3A_332, %mul3A_333 : i32
          %add3A_335 = arith.addi %mul3A_2, %mul3A_334 : i32
          %dma_wait3A_336 = arith.constant 4 : i32
          %dma_wait3A_337 = arith.constant 0 : i32
          %dma_wait3A_338 = arith.constant 0 : i32
          %dma_wait3A_339 = tpu.memref_slice %arg6[%dma_wait3A_336, %dma_wait3A_337, %dma_wait3A_338] : memref<8x128x64xf32, #tpu.memory_space<vmem>> -> memref<4x128x64xf32, #tpu.memory_space<vmem>>
          %dma_wait3A_340 = arith.constant 0 : i32
          %dma_wait3A_341 = arith.constant 0 : i32
          %dma_wait3A_342 = tpu.memref_slice %arg4[%add3A_335, %dma_wait3A_340, %dma_wait3A_341] : memref<6400x128x64xf32, #tpu.memory_space<hbm>> -> memref<4x128x64xf32, #tpu.memory_space<hbm>>
          %dma_wait3A_343 = arith.constant 0 : i32
          %dma_wait3A_344 = arith.constant 0 : i32
          %dma_wait3A_345 = tpu.memref_slice %arg4[%add3A_335, %dma_wait3A_343, %dma_wait3A_344] : memref<6400x128x64xf32, #tpu.memory_space<hbm>> -> memref<4x128x64xf32, #tpu.memory_space<hbm>>
          %dma_wait3A_346 = arith.constant 4 : i32
          %dma_wait3A_347 = arith.constant 0 : i32
          %dma_wait3A_348 = arith.constant 0 : i32
          %dma_wait3A_349 = tpu.memref_slice %arg6[%dma_wait3A_346, %dma_wait3A_347, %dma_wait3A_348] : memref<8x128x64xf32, #tpu.memory_space<vmem>> -> memref<4x128x64xf32, #tpu.memory_space<vmem>>
          tpu.wait_dma2 semaphore(%arg16 : memref<!tpu.dma_semaphore, #tpu.memory_space<semaphore_mem>>) src(%dma_wait3A_349 : memref<4x128x64xf32, #tpu.memory_space<vmem>>) dst(%dma_wait3A_345 : memref<4x128x64xf32, #tpu.memory_space<hbm>>)
        } else {
        }
        %add3A_264 = arith.constant 1 : i32
        %add3A_265 = arith.addi %add3A_90, %add3A_264 : i32
        %mul3A_266 = arith.constant 4 : i32
        %mul3A_267 = arith.muli %add3A_265, %mul3A_266 : i32
        %add3A_268 = arith.constant 0 : i32
        %add3A_269 = arith.addi %mul3A_267, %add3A_268 : i32
        %dma_start3A_270 = arith.constant 4 : i32
        %dma_start3A_271 = arith.constant 0 : i32
        %dma_start3A_272 = arith.constant 0 : i32
        %dma_start3A_273 = tpu.memref_slice %arg6[%dma_start3A_270, %dma_start3A_271, %dma_start3A_272] : memref<8x128x64xf32, #tpu.memory_space<vmem>> -> memref<1x128x64xf32, #tpu.memory_space<vmem>>
        %dma_start3A_274 = tpu.memref_squeeze %dma_start3A_273 : memref<1x128x64xf32, #tpu.memory_space<vmem>> -> memref<128x64xf32, #tpu.memory_space<vmem>>
        %dma_start3A_275 = arith.constant 0 : i32
        %dma_start3A_276 = tpu.memref_slice %arg5[%add3A_269, %dma_start3A_275] : memref<200x128xi32, #tpu.memory_space<vmem>> -> memref<1x128xi32, #tpu.memory_space<vmem>>
        %dma_start3A_277 = tpu.memref_squeeze %dma_start3A_276 : memref<1x128xi32, #tpu.memory_space<vmem>> -> memref<128xi32, #tpu.memory_space<vmem>>
        %dma_start3A_278 = arith.constant 0 : i32
        %dma_start3A_279 = arith.constant 0 : i32
        %dma_start3A_280 = tpu.memref_slice %arg3[%dma_start3A_278, %dma_start3A_279] : memref<1000000x64xf32, #tpu.memory_space<hbm>> -> memref<1000000x64xf32, #tpu.memory_space<hbm>>
        tpu.enqueue_indirect_dma source(%dma_start3A_280 : memref<1000000x64xf32, #tpu.memory_space<hbm>>) target(%dma_start3A_274 : memref<128x64xf32, #tpu.memory_space<vmem>>) offsets(%dma_start3A_277 : memref<128xi32, #tpu.memory_space<vmem>>) semaphore(%arg11 : memref<!tpu.dma_semaphore, #tpu.memory_space<semaphore_mem>>)
        %add3A_281 = arith.constant 1 : i32
        %add3A_282 = arith.addi %add3A_90, %add3A_281 : i32
        %mul3A_283 = arith.constant 4 : i32
        %mul3A_284 = arith.muli %add3A_282, %mul3A_283 : i32
        %add3A_285 = arith.constant 1 : i32
        %add3A_286 = arith.addi %mul3A_284, %add3A_285 : i32
        %dma_start3A_287 = arith.constant 5 : i32
        %dma_start3A_288 = arith.constant 0 : i32
        %dma_start3A_289 = arith.constant 0 : i32
        %dma_start3A_290 = tpu.memref_slice %arg6[%dma_start3A_287, %dma_start3A_288, %dma_start3A_289] : memref<8x128x64xf32, #tpu.memory_space<vmem>> -> memref<1x128x64xf32, #tpu.memory_space<vmem>>
        %dma_start3A_291 = tpu.memref_squeeze %dma_start3A_290 : memref<1x128x64xf32, #tpu.memory_space<vmem>> -> memref<128x64xf32, #tpu.memory_space<vmem>>
        %dma_start3A_292 = arith.constant 0 : i32
        %dma_start3A_293 = tpu.memref_slice %arg5[%add3A_286, %dma_start3A_292] : memref<200x128xi32, #tpu.memory_space<vmem>> -> memref<1x128xi32, #tpu.memory_space<vmem>>
        %dma_start3A_294 = tpu.memref_squeeze %dma_start3A_293 : memref<1x128xi32, #tpu.memory_space<vmem>> -> memref<128xi32, #tpu.memory_space<vmem>>
        %dma_start3A_295 = arith.constant 0 : i32
        %dma_start3A_296 = arith.constant 0 : i32
        %dma_start3A_297 = tpu.memref_slice %arg3[%dma_start3A_295, %dma_start3A_296] : memref<1000000x64xf32, #tpu.memory_space<hbm>> -> memref<1000000x64xf32, #tpu.memory_space<hbm>>
        tpu.enqueue_indirect_dma source(%dma_start3A_297 : memref<1000000x64xf32, #tpu.memory_space<hbm>>) target(%dma_start3A_291 : memref<128x64xf32, #tpu.memory_space<vmem>>) offsets(%dma_start3A_294 : memref<128xi32, #tpu.memory_space<vmem>>) semaphore(%arg12 : memref<!tpu.dma_semaphore, #tpu.memory_space<semaphore_mem>>)
        %add3A_298 = arith.constant 1 : i32
        %add3A_299 = arith.addi %add3A_90, %add3A_298 : i32
        %mul3A_300 = arith.constant 4 : i32
        %mul3A_301 = arith.muli %add3A_299, %mul3A_300 : i32
        %add3A_302 = arith.constant 2 : i32
        %add3A_303 = arith.addi %mul3A_301, %add3A_302 : i32
        %dma_start3A_304 = arith.constant 6 : i32
        %dma_start3A_305 = arith.constant 0 : i32
        %dma_start3A_306 = arith.constant 0 : i32
        %dma_start3A_307 = tpu.memref_slice %arg6[%dma_start3A_304, %dma_start3A_305, %dma_start3A_306] : memref<8x128x64xf32, #tpu.memory_space<vmem>> -> memref<1x128x64xf32, #tpu.memory_space<vmem>>
        %dma_start3A_308 = tpu.memref_squeeze %dma_start3A_307 : memref<1x128x64xf32, #tpu.memory_space<vmem>> -> memref<128x64xf32, #tpu.memory_space<vmem>>
        %dma_start3A_309 = arith.constant 0 : i32
        %dma_start3A_310 = tpu.memref_slice %arg5[%add3A_303, %dma_start3A_309] : memref<200x128xi32, #tpu.memory_space<vmem>> -> memref<1x128xi32, #tpu.memory_space<vmem>>
        %dma_start3A_311 = tpu.memref_squeeze %dma_start3A_310 : memref<1x128xi32, #tpu.memory_space<vmem>> -> memref<128xi32, #tpu.memory_space<vmem>>
        %dma_start3A_312 = arith.constant 0 : i32
        %dma_start3A_313 = arith.constant 0 : i32
        %dma_start3A_314 = tpu.memref_slice %arg3[%dma_start3A_312, %dma_start3A_313] : memref<1000000x64xf32, #tpu.memory_space<hbm>> -> memref<1000000x64xf32, #tpu.memory_space<hbm>>
        tpu.enqueue_indirect_dma source(%dma_start3A_314 : memref<1000000x64xf32, #tpu.memory_space<hbm>>) target(%dma_start3A_308 : memref<128x64xf32, #tpu.memory_space<vmem>>) offsets(%dma_start3A_311 : memref<128xi32, #tpu.memory_space<vmem>>) semaphore(%arg13 : memref<!tpu.dma_semaphore, #tpu.memory_space<semaphore_mem>>)
        %add3A_315 = arith.constant 1 : i32
        %add3A_316 = arith.addi %add3A_90, %add3A_315 : i32
        %mul3A_317 = arith.constant 4 : i32
        %mul3A_318 = arith.muli %add3A_316, %mul3A_317 : i32
        %add3A_319 = arith.constant 3 : i32
        %add3A_320 = arith.addi %mul3A_318, %add3A_319 : i32
        %dma_start3A_321 = arith.constant 7 : i32
        %dma_start3A_322 = arith.constant 0 : i32
        %dma_start3A_323 = arith.constant 0 : i32
        %dma_start3A_324 = tpu.memref_slice %arg6[%dma_start3A_321, %dma_start3A_322, %dma_start3A_323] : memref<8x128x64xf32, #tpu.memory_space<vmem>> -> memref<1x128x64xf32, #tpu.memory_space<vmem>>
        %dma_start3A_325 = tpu.memref_squeeze %dma_start3A_324 : memref<1x128x64xf32, #tpu.memory_space<vmem>> -> memref<128x64xf32, #tpu.memory_space<vmem>>
        %dma_start3A_326 = arith.constant 0 : i32
        %dma_start3A_327 = tpu.memref_slice %arg5[%add3A_320, %dma_start3A_326] : memref<200x128xi32, #tpu.memory_space<vmem>> -> memref<1x128xi32, #tpu.memory_space<vmem>>
        %dma_start3A_328 = tpu.memref_squeeze %dma_start3A_327 : memref<1x128xi32, #tpu.memory_space<vmem>> -> memref<128xi32, #tpu.memory_space<vmem>>
        %dma_start3A_329 = arith.constant 0 : i32
        %dma_start3A_330 = arith.constant 0 : i32
        %dma_start3A_331 = tpu.memref_slice %arg3[%dma_start3A_329, %dma_start3A_330] : memref<1000000x64xf32, #tpu.memory_space<hbm>> -> memref<1000000x64xf32, #tpu.memory_space<hbm>>
        tpu.enqueue_indirect_dma source(%dma_start3A_331 : memref<1000000x64xf32, #tpu.memory_space<hbm>>) target(%dma_start3A_325 : memref<128x64xf32, #tpu.memory_space<vmem>>) offsets(%dma_start3A_328 : memref<128xi32, #tpu.memory_space<vmem>>) semaphore(%arg14 : memref<!tpu.dma_semaphore, #tpu.memory_space<semaphore_mem>>)
      } else {
      }
      %mul3A_95 = arith.constant 4 : i32
      %mul3A_96 = arith.muli %add3A_90, %mul3A_95 : i32
      %add3A_97 = arith.constant 0 : i32
      %add3A_98 = arith.addi %mul3A_96, %add3A_97 : i32
      %dma_wait3A_99 = arith.constant 0 : i32
      %dma_wait3A_100 = arith.constant 0 : i32
      %dma_wait3A_101 = arith.constant 0 : i32
      %dma_wait3A_102 = tpu.memref_slice %arg6[%dma_wait3A_99, %dma_wait3A_100, %dma_wait3A_101] : memref<8x128x64xf32, #tpu.memory_space<vmem>> -> memref<1x128x64xf32, #tpu.memory_space<vmem>>
      %dma_wait3A_103 = tpu.memref_squeeze %dma_wait3A_102 : memref<1x128x64xf32, #tpu.memory_space<vmem>> -> memref<128x64xf32, #tpu.memory_space<vmem>>
      %dma_wait3A_104 = arith.constant 0 : i32
      %dma_wait3A_105 = tpu.memref_slice %arg5[%add3A_98, %dma_wait3A_104] : memref<200x128xi32, #tpu.memory_space<vmem>> -> memref<1x128xi32, #tpu.memory_space<vmem>>
      %dma_wait3A_106 = tpu.memref_squeeze %dma_wait3A_105 : memref<1x128xi32, #tpu.memory_space<vmem>> -> memref<128xi32, #tpu.memory_space<vmem>>
      %dma_wait3A_107 = arith.constant 0 : i32
      %dma_wait3A_108 = arith.constant 0 : i32
      %dma_wait3A_109 = tpu.memref_slice %arg3[%dma_wait3A_107, %dma_wait3A_108] : memref<1000000x64xf32, #tpu.memory_space<hbm>> -> memref<1000000x64xf32, #tpu.memory_space<hbm>>
      tpu.wait_indirect_dma semaphore(%arg7 : memref<!tpu.dma_semaphore, #tpu.memory_space<semaphore_mem>>) src(%dma_wait3A_109 : memref<1000000x64xf32, #tpu.memory_space<hbm>>) dst(%dma_wait3A_103 : memref<128x64xf32, #tpu.memory_space<vmem>>)
      %mul3A_110 = arith.constant 4 : i32
      %mul3A_111 = arith.muli %add3A_90, %mul3A_110 : i32
      %add3A_112 = arith.constant 1 : i32
      %add3A_113 = arith.addi %mul3A_111, %add3A_112 : i32
      %dma_wait3A_114 = arith.constant 1 : i32
      %dma_wait3A_115 = arith.constant 0 : i32
      %dma_wait3A_116 = arith.constant 0 : i32
      %dma_wait3A_117 = tpu.memref_slice %arg6[%dma_wait3A_114, %dma_wait3A_115, %dma_wait3A_116] : memref<8x128x64xf32, #tpu.memory_space<vmem>> -> memref<1x128x64xf32, #tpu.memory_space<vmem>>
      %dma_wait3A_118 = tpu.memref_squeeze %dma_wait3A_117 : memref<1x128x64xf32, #tpu.memory_space<vmem>> -> memref<128x64xf32, #tpu.memory_space<vmem>>
      %dma_wait3A_119 = arith.constant 0 : i32
      %dma_wait3A_120 = tpu.memref_slice %arg5[%add3A_113, %dma_wait3A_119] : memref<200x128xi32, #tpu.memory_space<vmem>> -> memref<1x128xi32, #tpu.memory_space<vmem>>
      %dma_wait3A_121 = tpu.memref_squeeze %dma_wait3A_120 : memref<1x128xi32, #tpu.memory_space<vmem>> -> memref<128xi32, #tpu.memory_space<vmem>>
      %dma_wait3A_122 = arith.constant 0 : i32
      %dma_wait3A_123 = arith.constant 0 : i32
      %dma_wait3A_124 = tpu.memref_slice %arg3[%dma_wait3A_122, %dma_wait3A_123] : memref<1000000x64xf32, #tpu.memory_space<hbm>> -> memref<1000000x64xf32, #tpu.memory_space<hbm>>
      tpu.wait_indirect_dma semaphore(%arg8 : memref<!tpu.dma_semaphore, #tpu.memory_space<semaphore_mem>>) src(%dma_wait3A_124 : memref<1000000x64xf32, #tpu.memory_space<hbm>>) dst(%dma_wait3A_118 : memref<128x64xf32, #tpu.memory_space<vmem>>)
      %mul3A_125 = arith.constant 4 : i32
      %mul3A_126 = arith.muli %add3A_90, %mul3A_125 : i32
      %add3A_127 = arith.constant 2 : i32
      %add3A_128 = arith.addi %mul3A_126, %add3A_127 : i32
      %dma_wait3A_129 = arith.constant 2 : i32
      %dma_wait3A_130 = arith.constant 0 : i32
      %dma_wait3A_131 = arith.constant 0 : i32
      %dma_wait3A_132 = tpu.memref_slice %arg6[%dma_wait3A_129, %dma_wait3A_130, %dma_wait3A_131] : memref<8x128x64xf32, #tpu.memory_space<vmem>> -> memref<1x128x64xf32, #tpu.memory_space<vmem>>
      %dma_wait3A_133 = tpu.memref_squeeze %dma_wait3A_132 : memref<1x128x64xf32, #tpu.memory_space<vmem>> -> memref<128x64xf32, #tpu.memory_space<vmem>>
      %dma_wait3A_134 = arith.constant 0 : i32
      %dma_wait3A_135 = tpu.memref_slice %arg5[%add3A_128, %dma_wait3A_134] : memref<200x128xi32, #tpu.memory_space<vmem>> -> memref<1x128xi32, #tpu.memory_space<vmem>>
      %dma_wait3A_136 = tpu.memref_squeeze %dma_wait3A_135 : memref<1x128xi32, #tpu.memory_space<vmem>> -> memref<128xi32, #tpu.memory_space<vmem>>
      %dma_wait3A_137 = arith.constant 0 : i32
      %dma_wait3A_138 = arith.constant 0 : i32
      %dma_wait3A_139 = tpu.memref_slice %arg3[%dma_wait3A_137, %dma_wait3A_138] : memref<1000000x64xf32, #tpu.memory_space<hbm>> -> memref<1000000x64xf32, #tpu.memory_space<hbm>>
      tpu.wait_indirect_dma semaphore(%arg9 : memref<!tpu.dma_semaphore, #tpu.memory_space<semaphore_mem>>) src(%dma_wait3A_139 : memref<1000000x64xf32, #tpu.memory_space<hbm>>) dst(%dma_wait3A_133 : memref<128x64xf32, #tpu.memory_space<vmem>>)
      %mul3A_140 = arith.constant 4 : i32
      %mul3A_141 = arith.muli %add3A_90, %mul3A_140 : i32
      %add3A_142 = arith.constant 3 : i32
      %add3A_143 = arith.addi %mul3A_141, %add3A_142 : i32
      %dma_wait3A_144 = arith.constant 3 : i32
      %dma_wait3A_145 = arith.constant 0 : i32
      %dma_wait3A_146 = arith.constant 0 : i32
      %dma_wait3A_147 = tpu.memref_slice %arg6[%dma_wait3A_144, %dma_wait3A_145, %dma_wait3A_146] : memref<8x128x64xf32, #tpu.memory_space<vmem>> -> memref<1x128x64xf32, #tpu.memory_space<vmem>>
      %dma_wait3A_148 = tpu.memref_squeeze %dma_wait3A_147 : memref<1x128x64xf32, #tpu.memory_space<vmem>> -> memref<128x64xf32, #tpu.memory_space<vmem>>
      %dma_wait3A_149 = arith.constant 0 : i32
      %dma_wait3A_150 = tpu.memref_slice %arg5[%add3A_143, %dma_wait3A_149] : memref<200x128xi32, #tpu.memory_space<vmem>> -> memref<1x128xi32, #tpu.memory_space<vmem>>
      %dma_wait3A_151 = tpu.memref_squeeze %dma_wait3A_150 : memref<1x128xi32, #tpu.memory_space<vmem>> -> memref<128xi32, #tpu.memory_space<vmem>>
      %dma_wait3A_152 = arith.constant 0 : i32
      %dma_wait3A_153 = arith.constant 0 : i32
      %dma_wait3A_154 = tpu.memref_slice %arg3[%dma_wait3A_152, %dma_wait3A_153] : memref<1000000x64xf32, #tpu.memory_space<hbm>> -> memref<1000000x64xf32, #tpu.memory_space<hbm>>
      tpu.wait_indirect_dma semaphore(%arg10 : memref<!tpu.dma_semaphore, #tpu.memory_space<semaphore_mem>>) src(%dma_wait3A_154 : memref<1000000x64xf32, #tpu.memory_space<hbm>>) dst(%dma_wait3A_148 : memref<128x64xf32, #tpu.memory_space<vmem>>)
      %mul3A_155 = arith.constant 4 : i32
      %mul3A_156 = arith.muli %add3A_90, %mul3A_155 : i32
      %add3A_157 = arith.addi %mul3A_2, %mul3A_156 : i32
      %dma_start3A_158 = arith.constant 0 : i32
      %dma_start3A_159 = arith.constant 0 : i32
      %dma_start3A_160 = arith.constant 0 : i32
      %dma_start3A_161 = tpu.memref_slice %arg6[%dma_start3A_158, %dma_start3A_159, %dma_start3A_160] : memref<8x128x64xf32, #tpu.memory_space<vmem>> -> memref<4x128x64xf32, #tpu.memory_space<vmem>>
      %dma_start3A_162 = arith.constant 0 : i32
      %dma_start3A_163 = arith.constant 0 : i32
      %dma_start3A_164 = tpu.memref_slice %arg4[%add3A_157, %dma_start3A_162, %dma_start3A_163] : memref<6400x128x64xf32, #tpu.memory_space<hbm>> -> memref<4x128x64xf32, #tpu.memory_space<hbm>>
      %dma_start3A_165 = arith.constant 0 : i32
      %dma_start3A_166 = arith.constant 0 : i32
      %dma_start3A_167 = tpu.memref_slice %arg4[%add3A_157, %dma_start3A_165, %dma_start3A_166] : memref<6400x128x64xf32, #tpu.memory_space<hbm>> -> memref<4x128x64xf32, #tpu.memory_space<hbm>>
      %dma_start3A_168 = arith.constant 0 : i32
      %dma_start3A_169 = arith.constant 0 : i32
      %dma_start3A_170 = arith.constant 0 : i32
      %dma_start3A_171 = tpu.memref_slice %arg6[%dma_start3A_168, %dma_start3A_169, %dma_start3A_170] : memref<8x128x64xf32, #tpu.memory_space<vmem>> -> memref<4x128x64xf32, #tpu.memory_space<vmem>>
      tpu.enqueue_dma source(%dma_start3A_171 : memref<4x128x64xf32, #tpu.memory_space<vmem>>) target(%dma_start3A_167 : memref<4x128x64xf32, #tpu.memory_space<hbm>>) target_semaphore(%arg15 : memref<!tpu.dma_semaphore, #tpu.memory_space<semaphore_mem>>)
      %mul3A_172 = arith.constant 2 : i32
      %mul3A_173 = arith.muli %mul3A_172, %scan3A_86 : i32
      %add3A_174 = arith.constant 1 : i32
      %add3A_175 = arith.addi %mul3A_173, %add3A_174 : i32
      %add3A_176 = arith.constant 1 : i32
      %add3A_177 = arith.addi %add3A_175, %add3A_176 : i32
      %lt3A_178 = arith.constant 50 : i32
      %lt3A_179 = arith.cmpi slt, %add3A_177, %lt3A_178 : i32
      %convert_element_type3A_180 = arith.extui %lt3A_179 : i1 to i32
      %cond3A_181 = arith.constant 0 : i32
      %cond3A_182 = arith.cmpi ne, %convert_element_type3A_180, %cond3A_181 : i32
      scf.if %cond3A_182 {
        %ge3A = arith.constant 1 : i32
        %ge3A_260 = arith.cmpi sge, %add3A_175, %ge3A : i32
        %convert_element_type3A_261 = arith.extui %ge3A_260 : i1 to i32
        %cond3A_262 = arith.constant 0 : i32
        %cond3A_263 = arith.cmpi ne, %convert_element_type3A_261, %cond3A_262 : i32
        scf.if %cond3A_263 {
          %sub3A = arith.constant 1 : i32
          %sub3A_332 = arith.subi %add3A_175, %sub3A : i32
          %mul3A_333 = arith.constant 4 : i32
          %mul3A_334 = arith.muli %sub3A_332, %mul3A_333 : i32
          %add3A_335 = arith.addi %mul3A_2, %mul3A_334 : i32
          %dma_wait3A_336 = arith.constant 0 : i32
          %dma_wait3A_337 = arith.constant 0 : i32
          %dma_wait3A_338 = arith.constant 0 : i32
          %dma_wait3A_339 = tpu.memref_slice %arg6[%dma_wait3A_336, %dma_wait3A_337, %dma_wait3A_338] : memref<8x128x64xf32, #tpu.memory_space<vmem>> -> memref<4x128x64xf32, #tpu.memory_space<vmem>>
          %dma_wait3A_340 = arith.constant 0 : i32
          %dma_wait3A_341 = arith.constant 0 : i32
          %dma_wait3A_342 = tpu.memref_slice %arg4[%add3A_335, %dma_wait3A_340, %dma_wait3A_341] : memref<6400x128x64xf32, #tpu.memory_space<hbm>> -> memref<4x128x64xf32, #tpu.memory_space<hbm>>
          %dma_wait3A_343 = arith.constant 0 : i32
          %dma_wait3A_344 = arith.constant 0 : i32
          %dma_wait3A_345 = tpu.memref_slice %arg4[%add3A_335, %dma_wait3A_343, %dma_wait3A_344] : memref<6400x128x64xf32, #tpu.memory_space<hbm>> -> memref<4x128x64xf32, #tpu.memory_space<hbm>>
          %dma_wait3A_346 = arith.constant 0 : i32
          %dma_wait3A_347 = arith.constant 0 : i32
          %dma_wait3A_348 = arith.constant 0 : i32
          %dma_wait3A_349 = tpu.memref_slice %arg6[%dma_wait3A_346, %dma_wait3A_347, %dma_wait3A_348] : memref<8x128x64xf32, #tpu.memory_space<vmem>> -> memref<4x128x64xf32, #tpu.memory_space<vmem>>
          tpu.wait_dma2 semaphore(%arg15 : memref<!tpu.dma_semaphore, #tpu.memory_space<semaphore_mem>>) src(%dma_wait3A_349 : memref<4x128x64xf32, #tpu.memory_space<vmem>>) dst(%dma_wait3A_345 : memref<4x128x64xf32, #tpu.memory_space<hbm>>)
        } else {
        }
        %add3A_264 = arith.constant 1 : i32
        %add3A_265 = arith.addi %add3A_175, %add3A_264 : i32
        %mul3A_266 = arith.constant 4 : i32
        %mul3A_267 = arith.muli %add3A_265, %mul3A_266 : i32
        %add3A_268 = arith.constant 0 : i32
        %add3A_269 = arith.addi %mul3A_267, %add3A_268 : i32
        %dma_start3A_270 = arith.constant 0 : i32
        %dma_start3A_271 = arith.constant 0 : i32
        %dma_start3A_272 = arith.constant 0 : i32
        %dma_start3A_273 = tpu.memref_slice %arg6[%dma_start3A_270, %dma_start3A_271, %dma_start3A_272] : memref<8x128x64xf32, #tpu.memory_space<vmem>> -> memref<1x128x64xf32, #tpu.memory_space<vmem>>
        %dma_start3A_274 = tpu.memref_squeeze %dma_start3A_273 : memref<1x128x64xf32, #tpu.memory_space<vmem>> -> memref<128x64xf32, #tpu.memory_space<vmem>>
        %dma_start3A_275 = arith.constant 0 : i32
        %dma_start3A_276 = tpu.memref_slice %arg5[%add3A_269, %dma_start3A_275] : memref<200x128xi32, #tpu.memory_space<vmem>> -> memref<1x128xi32, #tpu.memory_space<vmem>>
        %dma_start3A_277 = tpu.memref_squeeze %dma_start3A_276 : memref<1x128xi32, #tpu.memory_space<vmem>> -> memref<128xi32, #tpu.memory_space<vmem>>
        %dma_start3A_278 = arith.constant 0 : i32
        %dma_start3A_279 = arith.constant 0 : i32
        %dma_start3A_280 = tpu.memref_slice %arg3[%dma_start3A_278, %dma_start3A_279] : memref<1000000x64xf32, #tpu.memory_space<hbm>> -> memref<1000000x64xf32, #tpu.memory_space<hbm>>
        tpu.enqueue_indirect_dma source(%dma_start3A_280 : memref<1000000x64xf32, #tpu.memory_space<hbm>>) target(%dma_start3A_274 : memref<128x64xf32, #tpu.memory_space<vmem>>) offsets(%dma_start3A_277 : memref<128xi32, #tpu.memory_space<vmem>>) semaphore(%arg7 : memref<!tpu.dma_semaphore, #tpu.memory_space<semaphore_mem>>)
        %add3A_281 = arith.constant 1 : i32
        %add3A_282 = arith.addi %add3A_175, %add3A_281 : i32
        %mul3A_283 = arith.constant 4 : i32
        %mul3A_284 = arith.muli %add3A_282, %mul3A_283 : i32
        %add3A_285 = arith.constant 1 : i32
        %add3A_286 = arith.addi %mul3A_284, %add3A_285 : i32
        %dma_start3A_287 = arith.constant 1 : i32
        %dma_start3A_288 = arith.constant 0 : i32
        %dma_start3A_289 = arith.constant 0 : i32
        %dma_start3A_290 = tpu.memref_slice %arg6[%dma_start3A_287, %dma_start3A_288, %dma_start3A_289] : memref<8x128x64xf32, #tpu.memory_space<vmem>> -> memref<1x128x64xf32, #tpu.memory_space<vmem>>
        %dma_start3A_291 = tpu.memref_squeeze %dma_start3A_290 : memref<1x128x64xf32, #tpu.memory_space<vmem>> -> memref<128x64xf32, #tpu.memory_space<vmem>>
        %dma_start3A_292 = arith.constant 0 : i32
        %dma_start3A_293 = tpu.memref_slice %arg5[%add3A_286, %dma_start3A_292] : memref<200x128xi32, #tpu.memory_space<vmem>> -> memref<1x128xi32, #tpu.memory_space<vmem>>
        %dma_start3A_294 = tpu.memref_squeeze %dma_start3A_293 : memref<1x128xi32, #tpu.memory_space<vmem>> -> memref<128xi32, #tpu.memory_space<vmem>>
        %dma_start3A_295 = arith.constant 0 : i32
        %dma_start3A_296 = arith.constant 0 : i32
        %dma_start3A_297 = tpu.memref_slice %arg3[%dma_start3A_295, %dma_start3A_296] : memref<1000000x64xf32, #tpu.memory_space<hbm>> -> memref<1000000x64xf32, #tpu.memory_space<hbm>>
        tpu.enqueue_indirect_dma source(%dma_start3A_297 : memref<1000000x64xf32, #tpu.memory_space<hbm>>) target(%dma_start3A_291 : memref<128x64xf32, #tpu.memory_space<vmem>>) offsets(%dma_start3A_294 : memref<128xi32, #tpu.memory_space<vmem>>) semaphore(%arg8 : memref<!tpu.dma_semaphore, #tpu.memory_space<semaphore_mem>>)
        %add3A_298 = arith.constant 1 : i32
        %add3A_299 = arith.addi %add3A_175, %add3A_298 : i32
        %mul3A_300 = arith.constant 4 : i32
        %mul3A_301 = arith.muli %add3A_299, %mul3A_300 : i32
        %add3A_302 = arith.constant 2 : i32
        %add3A_303 = arith.addi %mul3A_301, %add3A_302 : i32
        %dma_start3A_304 = arith.constant 2 : i32
        %dma_start3A_305 = arith.constant 0 : i32
        %dma_start3A_306 = arith.constant 0 : i32
        %dma_start3A_307 = tpu.memref_slice %arg6[%dma_start3A_304, %dma_start3A_305, %dma_start3A_306] : memref<8x128x64xf32, #tpu.memory_space<vmem>> -> memref<1x128x64xf32, #tpu.memory_space<vmem>>
        %dma_start3A_308 = tpu.memref_squeeze %dma_start3A_307 : memref<1x128x64xf32, #tpu.memory_space<vmem>> -> memref<128x64xf32, #tpu.memory_space<vmem>>
        %dma_start3A_309 = arith.constant 0 : i32
        %dma_start3A_310 = tpu.memref_slice %arg5[%add3A_303, %dma_start3A_309] : memref<200x128xi32, #tpu.memory_space<vmem>> -> memref<1x128xi32, #tpu.memory_space<vmem>>
        %dma_start3A_311 = tpu.memref_squeeze %dma_start3A_310 : memref<1x128xi32, #tpu.memory_space<vmem>> -> memref<128xi32, #tpu.memory_space<vmem>>
        %dma_start3A_312 = arith.constant 0 : i32
        %dma_start3A_313 = arith.constant 0 : i32
        %dma_start3A_314 = tpu.memref_slice %arg3[%dma_start3A_312, %dma_start3A_313] : memref<1000000x64xf32, #tpu.memory_space<hbm>> -> memref<1000000x64xf32, #tpu.memory_space<hbm>>
        tpu.enqueue_indirect_dma source(%dma_start3A_314 : memref<1000000x64xf32, #tpu.memory_space<hbm>>) target(%dma_start3A_308 : memref<128x64xf32, #tpu.memory_space<vmem>>) offsets(%dma_start3A_311 : memref<128xi32, #tpu.memory_space<vmem>>) semaphore(%arg9 : memref<!tpu.dma_semaphore, #tpu.memory_space<semaphore_mem>>)
        %add3A_315 = arith.constant 1 : i32
        %add3A_316 = arith.addi %add3A_175, %add3A_315 : i32
        %mul3A_317 = arith.constant 4 : i32
        %mul3A_318 = arith.muli %add3A_316, %mul3A_317 : i32
        %add3A_319 = arith.constant 3 : i32
        %add3A_320 = arith.addi %mul3A_318, %add3A_319 : i32
        %dma_start3A_321 = arith.constant 3 : i32
        %dma_start3A_322 = arith.constant 0 : i32
        %dma_start3A_323 = arith.constant 0 : i32
        %dma_start3A_324 = tpu.memref_slice %arg6[%dma_start3A_321, %dma_start3A_322, %dma_start3A_323] : memref<8x128x64xf32, #tpu.memory_space<vmem>> -> memref<1x128x64xf32, #tpu.memory_space<vmem>>
        %dma_start3A_325 = tpu.memref_squeeze %dma_start3A_324 : memref<1x128x64xf32, #tpu.memory_space<vmem>> -> memref<128x64xf32, #tpu.memory_space<vmem>>
        %dma_start3A_326 = arith.constant 0 : i32
        %dma_start3A_327 = tpu.memref_slice %arg5[%add3A_320, %dma_start3A_326] : memref<200x128xi32, #tpu.memory_space<vmem>> -> memref<1x128xi32, #tpu.memory_space<vmem>>
        %dma_start3A_328 = tpu.memref_squeeze %dma_start3A_327 : memref<1x128xi32, #tpu.memory_space<vmem>> -> memref<128xi32, #tpu.memory_space<vmem>>
        %dma_start3A_329 = arith.constant 0 : i32
        %dma_start3A_330 = arith.constant 0 : i32
        %dma_start3A_331 = tpu.memref_slice %arg3[%dma_start3A_329, %dma_start3A_330] : memref<1000000x64xf32, #tpu.memory_space<hbm>> -> memref<1000000x64xf32, #tpu.memory_space<hbm>>
        tpu.enqueue_indirect_dma source(%dma_start3A_331 : memref<1000000x64xf32, #tpu.memory_space<hbm>>) target(%dma_start3A_325 : memref<128x64xf32, #tpu.memory_space<vmem>>) offsets(%dma_start3A_328 : memref<128xi32, #tpu.memory_space<vmem>>) semaphore(%arg10 : memref<!tpu.dma_semaphore, #tpu.memory_space<semaphore_mem>>)
      } else {
      }
      %mul3A_183 = arith.constant 4 : i32
      %mul3A_184 = arith.muli %add3A_175, %mul3A_183 : i32
      %add3A_185 = arith.constant 0 : i32
      %add3A_186 = arith.addi %mul3A_184, %add3A_185 : i32
      %dma_wait3A_187 = arith.constant 4 : i32
      %dma_wait3A_188 = arith.constant 0 : i32
      %dma_wait3A_189 = arith.constant 0 : i32
      %dma_wait3A_190 = tpu.memref_slice %arg6[%dma_wait3A_187, %dma_wait3A_188, %dma_wait3A_189] : memref<8x128x64xf32, #tpu.memory_space<vmem>> -> memref<1x128x64xf32, #tpu.memory_space<vmem>>
      %dma_wait3A_191 = tpu.memref_squeeze %dma_wait3A_190 : memref<1x128x64xf32, #tpu.memory_space<vmem>> -> memref<128x64xf32, #tpu.memory_space<vmem>>
      %dma_wait3A_192 = arith.constant 0 : i32
      %dma_wait3A_193 = tpu.memref_slice %arg5[%add3A_186, %dma_wait3A_192] : memref<200x128xi32, #tpu.memory_space<vmem>> -> memref<1x128xi32, #tpu.memory_space<vmem>>
      %dma_wait3A_194 = tpu.memref_squeeze %dma_wait3A_193 : memref<1x128xi32, #tpu.memory_space<vmem>> -> memref<128xi32, #tpu.memory_space<vmem>>
      %dma_wait3A_195 = arith.constant 0 : i32
      %dma_wait3A_196 = arith.constant 0 : i32
      %dma_wait3A_197 = tpu.memref_slice %arg3[%dma_wait3A_195, %dma_wait3A_196] : memref<1000000x64xf32, #tpu.memory_space<hbm>> -> memref<1000000x64xf32, #tpu.memory_space<hbm>>
      tpu.wait_indirect_dma semaphore(%arg11 : memref<!tpu.dma_semaphore, #tpu.memory_space<semaphore_mem>>) src(%dma_wait3A_197 : memref<1000000x64xf32, #tpu.memory_space<hbm>>) dst(%dma_wait3A_191 : memref<128x64xf32, #tpu.memory_space<vmem>>)
      %mul3A_198 = arith.constant 4 : i32
      %mul3A_199 = arith.muli %add3A_175, %mul3A_198 : i32
      %add3A_200 = arith.constant 1 : i32
      %add3A_201 = arith.addi %mul3A_199, %add3A_200 : i32
      %dma_wait3A_202 = arith.constant 5 : i32
      %dma_wait3A_203 = arith.constant 0 : i32
      %dma_wait3A_204 = arith.constant 0 : i32
      %dma_wait3A_205 = tpu.memref_slice %arg6[%dma_wait3A_202, %dma_wait3A_203, %dma_wait3A_204] : memref<8x128x64xf32, #tpu.memory_space<vmem>> -> memref<1x128x64xf32, #tpu.memory_space<vmem>>
      %dma_wait3A_206 = tpu.memref_squeeze %dma_wait3A_205 : memref<1x128x64xf32, #tpu.memory_space<vmem>> -> memref<128x64xf32, #tpu.memory_space<vmem>>
      %dma_wait3A_207 = arith.constant 0 : i32
      %dma_wait3A_208 = tpu.memref_slice %arg5[%add3A_201, %dma_wait3A_207] : memref<200x128xi32, #tpu.memory_space<vmem>> -> memref<1x128xi32, #tpu.memory_space<vmem>>
      %dma_wait3A_209 = tpu.memref_squeeze %dma_wait3A_208 : memref<1x128xi32, #tpu.memory_space<vmem>> -> memref<128xi32, #tpu.memory_space<vmem>>
      %dma_wait3A_210 = arith.constant 0 : i32
      %dma_wait3A_211 = arith.constant 0 : i32
      %dma_wait3A_212 = tpu.memref_slice %arg3[%dma_wait3A_210, %dma_wait3A_211] : memref<1000000x64xf32, #tpu.memory_space<hbm>> -> memref<1000000x64xf32, #tpu.memory_space<hbm>>
      tpu.wait_indirect_dma semaphore(%arg12 : memref<!tpu.dma_semaphore, #tpu.memory_space<semaphore_mem>>) src(%dma_wait3A_212 : memref<1000000x64xf32, #tpu.memory_space<hbm>>) dst(%dma_wait3A_206 : memref<128x64xf32, #tpu.memory_space<vmem>>)
      %mul3A_213 = arith.constant 4 : i32
      %mul3A_214 = arith.muli %add3A_175, %mul3A_213 : i32
      %add3A_215 = arith.constant 2 : i32
      %add3A_216 = arith.addi %mul3A_214, %add3A_215 : i32
      %dma_wait3A_217 = arith.constant 6 : i32
      %dma_wait3A_218 = arith.constant 0 : i32
      %dma_wait3A_219 = arith.constant 0 : i32
      %dma_wait3A_220 = tpu.memref_slice %arg6[%dma_wait3A_217, %dma_wait3A_218, %dma_wait3A_219] : memref<8x128x64xf32, #tpu.memory_space<vmem>> -> memref<1x128x64xf32, #tpu.memory_space<vmem>>
      %dma_wait3A_221 = tpu.memref_squeeze %dma_wait3A_220 : memref<1x128x64xf32, #tpu.memory_space<vmem>> -> memref<128x64xf32, #tpu.memory_space<vmem>>
      %dma_wait3A_222 = arith.constant 0 : i32
      %dma_wait3A_223 = tpu.memref_slice %arg5[%add3A_216, %dma_wait3A_222] : memref<200x128xi32, #tpu.memory_space<vmem>> -> memref<1x128xi32, #tpu.memory_space<vmem>>
      %dma_wait3A_224 = tpu.memref_squeeze %dma_wait3A_223 : memref<1x128xi32, #tpu.memory_space<vmem>> -> memref<128xi32, #tpu.memory_space<vmem>>
      %dma_wait3A_225 = arith.constant 0 : i32
      %dma_wait3A_226 = arith.constant 0 : i32
      %dma_wait3A_227 = tpu.memref_slice %arg3[%dma_wait3A_225, %dma_wait3A_226] : memref<1000000x64xf32, #tpu.memory_space<hbm>> -> memref<1000000x64xf32, #tpu.memory_space<hbm>>
      tpu.wait_indirect_dma semaphore(%arg13 : memref<!tpu.dma_semaphore, #tpu.memory_space<semaphore_mem>>) src(%dma_wait3A_227 : memref<1000000x64xf32, #tpu.memory_space<hbm>>) dst(%dma_wait3A_221 : memref<128x64xf32, #tpu.memory_space<vmem>>)
      %mul3A_228 = arith.constant 4 : i32
      %mul3A_229 = arith.muli %add3A_175, %mul3A_228 : i32
      %add3A_230 = arith.constant 3 : i32
      %add3A_231 = arith.addi %mul3A_229, %add3A_230 : i32
      %dma_wait3A_232 = arith.constant 7 : i32
      %dma_wait3A_233 = arith.constant 0 : i32
      %dma_wait3A_234 = arith.constant 0 : i32
      %dma_wait3A_235 = tpu.memref_slice %arg6[%dma_wait3A_232, %dma_wait3A_233, %dma_wait3A_234] : memref<8x128x64xf32, #tpu.memory_space<vmem>> -> memref<1x128x64xf32, #tpu.memory_space<vmem>>
      %dma_wait3A_236 = tpu.memref_squeeze %dma_wait3A_235 : memref<1x128x64xf32, #tpu.memory_space<vmem>> -> memref<128x64xf32, #tpu.memory_space<vmem>>
      %dma_wait3A_237 = arith.constant 0 : i32
      %dma_wait3A_238 = tpu.memref_slice %arg5[%add3A_231, %dma_wait3A_237] : memref<200x128xi32, #tpu.memory_space<vmem>> -> memref<1x128xi32, #tpu.memory_space<vmem>>
      %dma_wait3A_239 = tpu.memref_squeeze %dma_wait3A_238 : memref<1x128xi32, #tpu.memory_space<vmem>> -> memref<128xi32, #tpu.memory_space<vmem>>
      %dma_wait3A_240 = arith.constant 0 : i32
      %dma_wait3A_241 = arith.constant 0 : i32
      %dma_wait3A_242 = tpu.memref_slice %arg3[%dma_wait3A_240, %dma_wait3A_241] : memref<1000000x64xf32, #tpu.memory_space<hbm>> -> memref<1000000x64xf32, #tpu.memory_space<hbm>>
      tpu.wait_indirect_dma semaphore(%arg14 : memref<!tpu.dma_semaphore, #tpu.memory_space<semaphore_mem>>) src(%dma_wait3A_242 : memref<1000000x64xf32, #tpu.memory_space<hbm>>) dst(%dma_wait3A_236 : memref<128x64xf32, #tpu.memory_space<vmem>>)
      %mul3A_243 = arith.constant 4 : i32
      %mul3A_244 = arith.muli %add3A_175, %mul3A_243 : i32
      %add3A_245 = arith.addi %mul3A_2, %mul3A_244 : i32
      %dma_start3A_246 = arith.constant 4 : i32
      %dma_start3A_247 = arith.constant 0 : i32
      %dma_start3A_248 = arith.constant 0 : i32
      %dma_start3A_249 = tpu.memref_slice %arg6[%dma_start3A_246, %dma_start3A_247, %dma_start3A_248] : memref<8x128x64xf32, #tpu.memory_space<vmem>> -> memref<4x128x64xf32, #tpu.memory_space<vmem>>
      %dma_start3A_250 = arith.constant 0 : i32
      %dma_start3A_251 = arith.constant 0 : i32
      %dma_start3A_252 = tpu.memref_slice %arg4[%add3A_245, %dma_start3A_250, %dma_start3A_251] : memref<6400x128x64xf32, #tpu.memory_space<hbm>> -> memref<4x128x64xf32, #tpu.memory_space<hbm>>
      %dma_start3A_253 = arith.constant 0 : i32
      %dma_start3A_254 = arith.constant 0 : i32
      %dma_start3A_255 = tpu.memref_slice %arg4[%add3A_245, %dma_start3A_253, %dma_start3A_254] : memref<6400x128x64xf32, #tpu.memory_space<hbm>> -> memref<4x128x64xf32, #tpu.memory_space<hbm>>
      %dma_start3A_256 = arith.constant 4 : i32
      %dma_start3A_257 = arith.constant 0 : i32
      %dma_start3A_258 = arith.constant 0 : i32
      %dma_start3A_259 = tpu.memref_slice %arg6[%dma_start3A_256, %dma_start3A_257, %dma_start3A_258] : memref<8x128x64xf32, #tpu.memory_space<vmem>> -> memref<4x128x64xf32, #tpu.memory_space<vmem>>
      tpu.enqueue_dma source(%dma_start3A_259 : memref<4x128x64xf32, #tpu.memory_space<vmem>>) target(%dma_start3A_255 : memref<4x128x64xf32, #tpu.memory_space<hbm>>) target_semaphore(%arg16 : memref<!tpu.dma_semaphore, #tpu.memory_space<semaphore_mem>>)
    }
    %scan3A_54 = arith.constant 25 : i32
    %add3A_55 = arith.constant 192 : i32
    %add3A_56 = arith.addi %mul3A_2, %add3A_55 : i32
    %dma_wait3A = arith.constant 0 : i32
    %dma_wait3A_57 = arith.constant 0 : i32
    %dma_wait3A_58 = arith.constant 0 : i32
    %dma_wait3A_59 = tpu.memref_slice %arg6[%dma_wait3A, %dma_wait3A_57, %dma_wait3A_58] : memref<8x128x64xf32, #tpu.memory_space<vmem>> -> memref<4x128x64xf32, #tpu.memory_space<vmem>>
    %dma_wait3A_60 = arith.constant 0 : i32
    %dma_wait3A_61 = arith.constant 0 : i32
    %dma_wait3A_62 = tpu.memref_slice %arg4[%add3A_56, %dma_wait3A_60, %dma_wait3A_61] : memref<6400x128x64xf32, #tpu.memory_space<hbm>> -> memref<4x128x64xf32, #tpu.memory_space<hbm>>
    %dma_wait3A_63 = arith.constant 0 : i32
    %dma_wait3A_64 = arith.constant 0 : i32
    %dma_wait3A_65 = tpu.memref_slice %arg4[%add3A_56, %dma_wait3A_63, %dma_wait3A_64] : memref<6400x128x64xf32, #tpu.memory_space<hbm>> -> memref<4x128x64xf32, #tpu.memory_space<hbm>>
    %dma_wait3A_66 = arith.constant 0 : i32
    %dma_wait3A_67 = arith.constant 0 : i32
    %dma_wait3A_68 = arith.constant 0 : i32
    %dma_wait3A_69 = tpu.memref_slice %arg6[%dma_wait3A_66, %dma_wait3A_67, %dma_wait3A_68] : memref<8x128x64xf32, #tpu.memory_space<vmem>> -> memref<4x128x64xf32, #tpu.memory_space<vmem>>
    tpu.wait_dma2 semaphore(%arg15 : memref<!tpu.dma_semaphore, #tpu.memory_space<semaphore_mem>>) src(%dma_wait3A_69 : memref<4x128x64xf32, #tpu.memory_space<vmem>>) dst(%dma_wait3A_65 : memref<4x128x64xf32, #tpu.memory_space<hbm>>)
    %add3A_70 = arith.constant 196 : i32
    %add3A_71 = arith.addi %mul3A_2, %add3A_70 : i32
    %dma_wait3A_72 = arith.constant 4 : i32
    %dma_wait3A_73 = arith.constant 0 : i32
    %dma_wait3A_74 = arith.constant 0 : i32
    %dma_wait3A_75 = tpu.memref_slice %arg6[%dma_wait3A_72, %dma_wait3A_73, %dma_wait3A_74] : memref<8x128x64xf32, #tpu.memory_space<vmem>> -> memref<4x128x64xf32, #tpu.memory_space<vmem>>
    %dma_wait3A_76 = arith.constant 0 : i32
    %dma_wait3A_77 = arith.constant 0 : i32
    %dma_wait3A_78 = tpu.memref_slice %arg4[%add3A_71, %dma_wait3A_76, %dma_wait3A_77] : memref<6400x128x64xf32, #tpu.memory_space<hbm>> -> memref<4x128x64xf32, #tpu.memory_space<hbm>>
    %dma_wait3A_79 = arith.constant 0 : i32
    %dma_wait3A_80 = arith.constant 0 : i32
    %dma_wait3A_81 = tpu.memref_slice %arg4[%add3A_71, %dma_wait3A_79, %dma_wait3A_80] : memref<6400x128x64xf32, #tpu.memory_space<hbm>> -> memref<4x128x64xf32, #tpu.memory_space<hbm>>
    %dma_wait3A_82 = arith.constant 4 : i32
    %dma_wait3A_83 = arith.constant 0 : i32
    %dma_wait3A_84 = arith.constant 0 : i32
    %dma_wait3A_85 = tpu.memref_slice %arg6[%dma_wait3A_82, %dma_wait3A_83, %dma_wait3A_84] : memref<8x128x64xf32, #tpu.memory_space<vmem>> -> memref<4x128x64xf32, #tpu.memory_space<vmem>>
    tpu.wait_dma2 semaphore(%arg16 : memref<!tpu.dma_semaphore, #tpu.memory_space<semaphore_mem>>) src(%dma_wait3A_85 : memref<4x128x64xf32, #tpu.memory_space<vmem>>) dst(%dma_wait3A_81 : memref<4x128x64xf32, #tpu.memory_space<hbm>>)
    return
  }
}

</mosaic_0001>

<sc_bundles>
// kernel: kernel.3.cloned.1.call-start
scs
__scs_entry_jumppad:
0x0: {  	(pc) =	sbr.rel $0x88, $3  }
0x1: {  	(tag) =	ssettag $0x0;
	lr =	simm.s32 $0x1  }
0x2: {  	[smem:$0x3F9F] =	sst lr;
	_ =	strace $0xD0000000  }
0x3: {  	_ = 	snop  }
0x4: {  	_ = 	snop  }
0x5: {  	_ = 	snop  }
0x6: {  	_ = 	snop  }
0x7: {  	_ = 	snop  }
__scs_overlays_trampoline_lowered:
0x8: {  	[smem:$0x3FAE] =	sst s0  }
0x9: {  	[smem:$0x3FAF] =	sst s1  }
0xa: {  	[smem:$0x3FB0] =	sst s2  }
0xb: {  	[smem:$0x3FB1] =	sst s3  }
0xc: {  	[smem:$0x3FB2] =	sst s4  }
0xd: {  	[smem:$0x3FB3] =	sst s5  }
0xe: {  	[smem:$0x3FB4] =	sst s6  }
0xf: {  	[smem:$0x3FB5] =	sst s7  }
0x10: {  	[smem:$0x3FB6] =	sst s8  }
0x11: {  	[smem:$0x3FB7] =	sst s9;
	s0 =	simm.s32 @!p0 $0x0  }
0x12: {  	s1 =	sld [smem:$0x3F9D];
	s0 =	simm.s32 @p0 $0x1  }
0x13: {  	[smem:$0x3FB8] =	sst s0;
	s0 =	simm.s32 @!p1 $0x0  }
0x14: {  	s2 =	sld [smem:$0x3F9C];
	s0 =	simm.s32 @p1 $0x1  }
0x15: {  	[smem:$0x3FB9] =	sst s0;
	s0 =	simm.s32 @!p2 $0x0  }
0x16: {  	s3 =	sld [smem:$0x3FDB];
	s0 =	simm.s32 @p2 $0x1  }
0x17: {  	s4 =	simm.s32 $0x1BF5;
	[smem:$0x3FBB] =	sst s0  }
0x18: {  	s0 =	sld [smem:$0x3F9E];
	_ =	swait.ge [sflag:s4], $0x0  }
0x19: {  	s7 =	sld [smem:$0x3F9F]  }
0x1a: {  	s8 =	sadd.s32 $0xFFFFE003, lr  }
0x1b: {  	s9 =	sadd.s32 $0xFFFFFEF7, lr;
	s5 =	simm.s32 $0xFFFFFFFF;
	p2 =	slt.u32 s8, $0xFFFFF086  }
0x1c: {  	p1 =	slt.u32 s9, $0xF7A;
	s5 =	simm.s32 @!p2 $0x0  }
0x1d: {  	s5 =	simm.s32 @p1 $0x1;
	p0 =	seq.s32 s7, s2  }
0x1e: {  	s7 =	smul.u32 @!p0 $0xF7A, s2;
	p2 =	seq.s32 @!p0 s5, $0x0  }
0x1f: {  	s9 =	smul.u32 $0xF7A, s1;
	s8 =	simm.s32 @!p0 $0x1BF5;
	p2 =	por !p2, p0  }
0x20: {  	[sflag:s8] =	ssyncset.s32 @!p0 $0xFFFFF086;
	s6 =	sadd.s32 @!p0 s3, s7;
	s7 =	simm.s32 @!p0 $0x108  }
0x21: {  	s3 =	sadd.s32 s3, s9;
	s6 =	sadd.s32 @!p0 $0x88, s6;
	s7 =	simm.s32 @p2 $0x1082  }
0x22: {  	[simem:s7], [sflag:s8] =	dma.local @!p0 [hbm:s6], $0xF7A  }
0x23: {  	s9 =	sor.u32 $0xD0000000, s2;
	s6 =	simm.s32 $0x108;
	_ =	swait.ge @!p0 [sflag:s8], $0x0  }
0x24: {  	s3 =	sadd.s32 $0x88, s3;
	s6 =	simm.s32 @!p1 $0x1082;
	[sflag:s4] =	ssyncset.s32 $0xFFFFF086  }
0x25: {  	[simem:s6], [sflag:s4] =	dma.local [hbm:s3], $0xF7A  }
0x26: {  	[smem:$0x3F9F] =	sst s1;
	(tag) =	ssettag s2;
	_ =	strace s9  }
0x27: {  	s1 =	sld [smem:$0x3FAF]  }
0x28: {  	s2 =	sld [smem:$0x3FB0]  }
0x29: {  	s4 =	sld [smem:$0x3FB2]  }
0x2a: {  	p0 =	seq.s32 s5, $0x0;
	s5 =	sld [smem:$0x3FB3]  }
0x2b: {  	s6 =	sld [smem:$0x3FB4]  }
0x2c: {  	s7 =	sld [smem:$0x3FB5]  }
0x2d: {  	s3 =	simm.s32 $0x108;
	s8 =	sld [smem:$0x3FB6]  }
0x2e: {  	s3 =	simm.s32 @!p0 $0x1082;
	s9 =	sld [smem:$0x3FB7]  }
0x2f: {  	lr =	sadd.s32 s0, s3;
	s0 =	sld [smem:$0x3FAE]  }
0x30: {  	s3 =	sld [smem:$0x3FB1]  }
0x31: {  	[smem:$0x3FBA] =	sst s10  }
0x32: {  	s10 =	sld [smem:$0x3FB8];
	_ =	sdelay $0x3  }
0x33: {  	p0 =	seq.s32 s10, $0x1;
	s10 =	sld [smem:$0x3FBA];
	_ =	sdelay $0x3  }
0x34: {  	[smem:$0x3FBA] =	sst s10  }
0x35: {  	s10 =	sld [smem:$0x3FB9];
	_ =	sdelay $0x3  }
0x36: {  	p1 =	seq.s32 s10, $0x1;
	s10 =	sld [smem:$0x3FBA];
	_ =	sdelay $0x3  }
0x37: {  	[smem:$0x3FBA] =	sst s10  }
0x38: {  	s10 =	sld [smem:$0x3FBB]  }
0x39: {  	_ = 	snop;
	(pc) =	sbr.ind lr, $3  }
0x3a: {  	_ = 	snop  }
0x3b: {  	_ = 	snop  }
0x3c: {  	p2 =	seq.s32 s10, $0x1;
	s10 =	sld [smem:$0x3FBA]  }
0x3d: {  	_ =	shalt  }
0x3e: {  	_ =	shalt  }
0x3f: {  	_ =	shalt  }
0x40: {  	_ =	shalt  }
0x41: {  	_ =	shalt  }
0x42: {  	_ =	shalt  }
0x43: {  	_ =	shalt  }
0x44: {  	_ =	shalt  }
0x45: {  	_ =	shalt  }
0x46: {  	_ =	shalt  }
0x47: {  	_ =	shalt  }
0x48: {  	_ =	shalt  }
0x49: {  	_ =	shalt  }
0x4a: {  	_ =	shalt  }
0x4b: {  	_ =	shalt  }
0x4c: {  	_ =	shalt  }
0x4d: {  	_ =	shalt  }
0x4e: {  	_ =	shalt  }
0x4f: {  	_ =	shalt  }
0x50: {  	_ =	shalt  }
0x51: {  	_ =	shalt  }
0x52: {  	_ =	shalt  }
0x53: {  	_ =	shalt  }
0x54: {  	_ =	shalt  }
0x55: {  	_ =	shalt  }
0x56: {  	_ =	shalt  }
0x57: {  	_ =	shalt  }
0x58: {  	_ =	shalt  }
0x59: {  	_ =	shalt  }
0x5a: {  	_ =	shalt  }
0x5b: {  	_ =	shalt  }
0x5c: {  	_ =	shalt  }
0x5d: {  	_ =	shalt  }
0x5e: {  	_ =	shalt  }
0x5f: {  	_ =	shalt  }
0x60: {  	_ =	shalt  }
0x61: {  	_ =	shalt  }
0x62: {  	_ =	shalt  }
0x63: {  	_ =	shalt  }
0x64: {  	_ =	shalt  }
0x65: {  	_ =	shalt  }
0x66: {  	_ =	shalt  }
0x67: {  	_ =	shalt  }
0x68: {  	_ =	shalt  }
0x69: {  	_ =	shalt  }
0x6a: {  	_ =	shalt  }
0x6b: {  	_ =	shalt  }
0x6c: {  	_ =	shalt  }
0x6d: {  	_ =	shalt  }
0x6e: {  	_ =	shalt  }
0x6f: {  	_ =	shalt  }
0x70: {  	_ =	shalt  }
0x71: {  	_ =	shalt  }
0x72: {  	_ =	shalt  }
0x73: {  	_ =	shalt  }
0x74: {  	_ =	shalt  }
0x75: {  	_ =	shalt  }
0x76: {  	_ =	shalt  }
0x77: {  	_ =	shalt  }
0x78: {  	_ =	shalt  }
0x79: {  	_ =	shalt  }
0x7a: {  	_ =	shalt  }
0x7b: {  	_ =	shalt  }
0x7c: {  	_ =	shalt  }
0x7d: {  	_ =	shalt  }
0x7e: {  	_ =	shalt  }
0x7f: {  	_ =	shalt  }
0x80: {  	_ =	shalt  }
0x81: {  	_ =	shalt  }
0x82: {  	_ =	shalt  }
0x83: {  	_ =	shalt  }
0x84: {  	_ =	shalt  }
0x85: {  	_ =	shalt  }
0x86: {  	_ =	shalt  }
0x87: {  	_ =	shalt  }
.Lfunc_end0:
.L_simem_size_0:
called_computation.1_lowered:
.L_overlay_start_0:
0x88: {  	s2 =	sld [smem:$0x3FD9]  }
0x89: {  	s3 =	sld [smem:$0x3FFE];
	_ =	sdelay $0x1  }
0x8a: {  	s1 =	srdreg.scid  }
0x8b: {  	s0 =	sand.u32 $0x1, s1  }
0x8c: {  	s17 =	sshll.u32 s0, $0xA;
	s2 =	sadd.s32 s3, s2  }
0x8d: {  	s2 =	sadd.s32 s2, s17  }
0x8e: {  	[smem:$0x3FC6] =	sst s2  }
0x8f: {  	_ = 	snop  }
0x90: {  	s2 =	sld [smem:$0x3FD0];
	(tm) =	ssettm $0x1  }
0x91: {  	s18 =	sld [smem:$0x3FFB];
	_ =	sdelay $0x3  }
0x92: {  	_ =	strace s18  }
0x93: {  	s3 =	sld [smem:$0x3FFC];
	_ =	sdelay $0x3  }
0x94: {  	_ =	strace s3  }
0x95: {  	s3 =	sld [smem:$0x3FFD];
	_ =	sdelay $0x3  }
0x96: {  	_ =	strace s3  }
0x97: {  	_ =	strace $0x8FFFFFFF  }
0x98: {  	s19 =	sld [smem:$0x3FDB];
	_ =	sdelay $0x1  }
0x99: {  	s4 =	simm.s32 $_scs_section_size  }
0x9a: {  	s5 =	simm.s32 $_size__tile_overlayer_lowered;
	s6 =	simm.s32 $_tile_overlayer_lowered  }
0x9b: {  	s22 =	simm.s32 $0x1BFF;
	s21 =	sshll.u32 s6, $0x1;
	s3 =	sadd.s32 s4, s19  }
0x9c: {  	s7 =	simm.s32 $0x0;
	s20 =	sshll.u32 s5, $0x1;
	s5 =	sadd.s32 s21, s3  }
0x9d: {  	[timem:s7], [sflag:s22] =	dma.local [hbm:s5], s20  }
0x9e: {  	_ =	swait.ge [sflag:s22], s20  }
0x9f: {  	s4 =	ssub.s32 $0x0, s20;
	[sflag:s22] =	ssyncset.done $0x0  }
0xa0: {  	[sflag:s22] =	ssyncadd.s32 s4;
	_ =	sdelay $0x1  }
0xa1: {  	s23 =	simm.s32 $0x1B8B  }
0xa2: {  	_ =	swait.ge [sflag:s23], $0x1  }
0xa3: {  	[sflag:s23] =	ssyncset.done $0x0  }
0xa4: {  	s25 =	simm.s32 $0x1B8E;
	s24 =	sld [smem:$0x3FFE];
	[sflag:s23] =	ssyncadd.s32 $0xFFFFFFFF  }
0xa5: {  	s26 =	simm.s32 $execute0_lowered;
	[smem:$0x3FD2] =	sst s25  }
0xa6: {  	s5 =	sshll.u32 s26, $0x1;
	_ =	strace $0x80000046;
	[dreg:$0x1] =	wrdreg $0xFFFFFFFF  }
0xa7: {  	s28 =	simm.s32 $_size_execute0_lowered;
	s3 =	sadd.s32 s3, s5;
	[dreg:$0x0] =	wrdreg $0x0  }
0xa8: {  	s5 =	sshll.u32 s28, $0x1;
	[dreg:$0x2] =	wrdreg s3  }
0xa9: {  	[dreg:$0x3] =	wrdreg s5  }
0xaa: {  	[dreg:$0x4] =	wrdreg $0xC0  }
0xab: {  	_ =	task [dreg:s7], $0x5FFFF  }
0xac: {  	[dreg:$0x1] =	wrdreg $0xFFFFFFFF  }
0xad: {  	[dreg:$0x0] =	wrdreg $0x60  }
0xae: {  	[dreg:$0x2] =	wrdreg s24  }
0xaf: {  	[dreg:$0x3] =	wrdreg s2  }
0xb0: {  	[dreg:$0x4] =	wrdreg $0x9  }
0xb1: {  	_ =	task.clear_ibuf [dreg:s7], $0x5FFFF;
	_ =	strace $0x90000046  }
0xb2: {  	s29 =	simm.s32 $0x9;
	_ =	strace $0x80000048  }
0xb3: {  	_ =	swait.ge [sflag:s29], $0x1  }
0xb4: {  	[sflag:s29] =	ssyncadd.s32 $0xFFFFFFFF  }
0xb5: {  	_ =	strace $0x90000048  }
0xb6: {  	_ =	sfence  }
0xb7: {  	s30 =	sld [smem:$0x0];
	_ =	sdelay $0x2  }
0xb8: {  	s31 =	sshll.u32 s1, $0xD;
	s1 =	sshrl.u32 s1, $0x2  }
0xb9: {  	s3 =	sand.u32 $0x4000, s31;
	s1 =	sadd.s32 s1, s30  }
0xba: {  	s0 =	sor.u32 s3, s0;
	s1 =	sshll.u32 s1, $0x11  }
0xbb: {  	s0 =	sor.u32 s1, s0  }
0xbc: {  	s0 =	sadd.s32 $0x8F2B, s0  }
0xbd: {  	[sflag:s0] =	ssyncadd.remote.s32 $0x1  }
0xbe: {  	_ =	sfence.sel $0xFFFF  }
0xbf: {  	[dreg:$0x0] =	wrdreg $0xFFFFFFFF;
	(pc) =	sbr.abs _section_cstart, $3  }
0xc0: {  	[dreg:$0x1] =	wrdreg $0xFFFFFFFF  }
0xc1: {  	_ =	task.clear_ibuf [dreg:s7], $0x2FFFF;
	_ =	strace $0x9FFFFFFF  }
0xc2: {  	(tm) =	ssettm $0x7FFFFFFF  }
0xc3: {  	_ =	shalt  }
tec
execute0_lowered:
.L_overlay_start_1:
0x0: {  	(tag) =	ssettag $0x1  }
0x1: {  	s0 =	rddreg [dreg:$0x0]  }
0x2: {  	s1 =	srdreg.scid;
	s8 =	stileid.u32  }
0x3: {  	s2 =	rddreg [dreg:$0x1];
	s3 =	simm.s32 $0x0;
	s14 =	simm.s32 $0x80  }
0x4: {  	s15 =	simm.s32 $0x6400;
	s16 =	simm.s32 $0x8400;
	s18 =	simm.s32 $0xA400  }
0x5: {  	s29 =	simm.s32 $0x14400;
	s30 =	simm.s32 $0x1;
	s31 =	simm.s32 $0x2  }
0x6: {  	s17 =	simm.s32 $0x9;
	s28 =	simm.s32 $0x5;
	s1 =	sand.u32 $0x1, s1  }
0x7: {  	s4 =	sshll.u32 s8, $0x1;
	[smem:$0x7FF] =	sst s3;
	s8 =	smul.u32 $0x320000, s8  }
0x8: {  	s4 =	sor.u32 s1, s4;
	s7 =	ssub.s32 $0x2, s1;
	s1 =	smul.u32 $0x190000, s1  }
0x9: {  	s19 =	simm.s32 $0x6;
	_ =	strace $0x80000047;
	s5 =	smul.u32 $0xC80, s4  }
0xa: {  	s6 =	smul.u32 $0x190000, s4;
	s4 =	sadd.s32 $0xF42E00, s0;
	s20 =	sshrl.u32 s7, $0x1  }
0xb: {  	s22 =	sadd.s32 s1, s8;
	s1 =	simm.s32 $0x3;
	s5 =	sadd.s32 s5, s0  }
0xc: {  	s0 =	ssub.s32 s7, s20;
	s21 =	sshrl.u32 s6, $0x3;
	s25 =	sadd.s32 $0x18000, s22  }
0xd: {  	s11 =	sadd.s32 $0x10000, s22;
	s20 =	simm.s32 $0xC400;
	s5 =	sadd.s32 $0xA00, s5  }
0xe: {  	s22 =	simm.s32 $0xE400;
	s0 =	smax.u32 s0, $0x1;
	[dreg:$0x3] =	wrdreg s5  }
0xf: {  	s26 =	sshrl.u32 s25, $0x3;
	[dreg:$0x4] =	wrdreg s0;
	s5 =	sadd.s32 s2, s21  }
0x10: {  	s25 =	simm.s32 $0xA;
	s23 =	sadd.s32 $0x1000, s5;
	[dreg:$0x5] =	wrdreg s5  }
0x11: {  	s10 =	sadd.s32 s26, s2;
	s24 =	sadd.s32 $0x30000, s5;
	[dreg:$0x6] =	wrdreg s23  }
0x12: {  	s26 =	simm.s32 $0x12400;
	s5 =	sadd.s32 $0x31000, s5;
	[dreg:$0x7] =	wrdreg s24  }
0x13: {  	s0 =	simm.s32 $0x4;
	s21 =	simm.s32 $0x7;
	[dreg:$0x8] =	wrdreg s5  }
0x14: {  	s24 =	simm.s32 $0x10400;
	s23 =	simm.s32 $0x8;
	s5 =	simm.s32 $0x0  }
.LBB2_1:
0x15: {  	s6 =	rddreg [dreg:$0x3];
	s12 =	simm.s32 $0xB  }
0x16: {  	[tilespmem:s3], [sflag:$0xB] =	stream.linear.gather [hbm4b:s6+s3], $0x6400, $0x38;
	[tilespmem:$0x16400] =	vst v63  }
0x17: {  	_ =	swait.ge [sflag:s12], $0x6400  }
0x18: {  	[sflag:s12] =	ssyncset.done $0x0  }
0x19: {  	[sflag:s12] =	ssyncadd.s32 $0xFFFF9C00  }
0x1a: {  	[tilespmem:s15], [sflag:$0x1] =	stream.indirect.gather [hbm4b:s4+s14], $0x40, s3, s14, $0xb8;
	[tilespmem:$0x16400] =	vst v63  }
0x1b: {  	_ = 	snop  }
0x1c: {  	[tilespmem:s16], [sflag:$0x2] =	stream.indirect.gather [hbm4b:s4+s14], $0x40, s14, s14, $0xb8;
	[tilespmem:$0x16400] =	vst v63  }
0x1d: {  	s13 =	simm.s32 $0x100  }
0x1e: {  	[tilespmem:s18], [sflag:$0x3] =	stream.indirect.gather [hbm4b:s4+s14], $0x40, s13, s14, $0xb8;
	[tilespmem:$0x16400] =	vst v63  }
0x1f: {  	s7 =	simm.s32 $0x180  }
0x20: {  	[tilespmem:s20], [sflag:$0x4] =	stream.indirect.gather [hbm4b:s4+s14], $0x40, s7, s14, $0xb8;
	[tilespmem:$0x16400] =	vst v63  }
0x21: {  	s8 =	simm.s32 $0x200  }
0x22: {  	[tilespmem:s22], [sflag:$0x5] =	stream.indirect.gather [hbm4b:s4+s14], $0x40, s8, s14, $0xb8;
	[tilespmem:$0x16400] =	vst v63  }
0x23: {  	s9 =	simm.s32 $0x280  }
0x24: {  	[tilespmem:s24], [sflag:$0x6] =	stream.indirect.gather [hbm4b:s4+s14], $0x40, s9, s14, $0xb8;
	[tilespmem:$0x16400] =	vst v63  }
0x25: {  	s12 =	simm.s32 $0x300  }
0x26: {  	[tilespmem:s26], [sflag:$0x7] =	stream.indirect.gather [hbm4b:s4+s14], $0x40, s12, s14, $0xb8;
	[tilespmem:$0x16400] =	vst v63  }
0x27: {  	s13 =	simm.s32 $0x380  }
0x28: {  	[tilespmem:s29], [sflag:$0x8] =	stream.indirect.gather [hbm4b:s4+s14], $0x40, s13, s14, $0xb8;
	[tilespmem:$0x16400] =	vst v63  }
0x29: {  	_ =	swait.ge [sflag:s30], $0x2000  }
0x2a: {  	[sflag:s30] =	ssyncset.done $0x0  }
0x2b: {  	[sflag:s30] =	ssyncadd.s32 $0xFFFFE000  }
0x2c: {  	_ =	swait.ge [sflag:s31], $0x2000  }
0x2d: {  	[sflag:s31] =	ssyncset.done $0x0  }
0x2e: {  	[sflag:s31] =	ssyncadd.s32 $0xFFFFE000  }
0x2f: {  	_ =	swait.ge [sflag:s1], $0x2000  }
0x30: {  	[sflag:s1] =	ssyncset.done $0x0  }
0x31: {  	[sflag:s1] =	ssyncadd.s32 $0xFFFFE000  }
0x32: {  	_ =	swait.ge [sflag:s0], $0x2000  }
0x33: {  	[sflag:s0] =	ssyncset.done $0x0  }
0x34: {  	s7 =	rddreg [dreg:$0x5];
	[sflag:s0] =	ssyncadd.s32 $0xFFFFE000  }
0x35: {  	[hbm4b:s7+s3] =	stream.linear.scatter [tilespmem:s15], [sflag:$0x9], $0x8000, $0x38;
	[tilespmem:$0x16400] =	vst v63  }
0x36: {  	_ =	swait.ge [sflag:s17], $0x8000  }
0x37: {  	[sflag:s17] =	ssyncset.done $0x0  }
0x38: {  	s8 =	simm.s32 $0x400;
	[sflag:s17] =	ssyncadd.s32 $0xFFFF8000  }
0x39: {  	[tilespmem:s15], [sflag:$0x1] =	stream.indirect.gather [hbm4b:s4+s14], $0x40, s8, s14, $0xb8;
	[tilespmem:$0x16400] =	vst v63  }
0x3a: {  	s9 =	simm.s32 $0x480  }
0x3b: {  	[tilespmem:s16], [sflag:$0x2] =	stream.indirect.gather [hbm4b:s4+s14], $0x40, s9, s14, $0xb8;
	[tilespmem:$0x16400] =	vst v63  }
0x3c: {  	s12 =	simm.s32 $0x500  }
0x3d: {  	[tilespmem:s18], [sflag:$0x3] =	stream.indirect.gather [hbm4b:s4+s14], $0x40, s12, s14, $0xb8;
	[tilespmem:$0x16400] =	vst v63  }
0x3e: {  	s13 =	simm.s32 $0x580  }
0x3f: {  	[tilespmem:s20], [sflag:$0x4] =	stream.indirect.gather [hbm4b:s4+s14], $0x40, s13, s14, $0xb8;
	[tilespmem:$0x16400] =	vst v63  }
0x40: {  	_ =	swait.ge [sflag:s28], $0x2000  }
0x41: {  	[sflag:s28] =	ssyncset.done $0x0  }
0x42: {  	[sflag:s28] =	ssyncadd.s32 $0xFFFFE000  }
0x43: {  	_ =	swait.ge [sflag:s19], $0x2000  }
0x44: {  	[sflag:s19] =	ssyncset.done $0x0  }
0x45: {  	[sflag:s19] =	ssyncadd.s32 $0xFFFFE000  }
0x46: {  	_ =	swait.ge [sflag:s21], $0x2000  }
0x47: {  	[sflag:s21] =	ssyncset.done $0x0  }
0x48: {  	[sflag:s21] =	ssyncadd.s32 $0xFFFFE000  }
0x49: {  	_ =	swait.ge [sflag:s23], $0x2000  }
0x4a: {  	[sflag:s23] =	ssyncset.done $0x0  }
0x4b: {  	s7 =	rddreg [dreg:$0x6];
	[sflag:s23] =	ssyncadd.s32 $0xFFFFE000  }
0x4c: {  	[hbm4b:s7+s3] =	stream.linear.scatter [tilespmem:s22], [sflag:$0xA], $0x8000, $0x38;
	[tilespmem:$0x16400] =	vst v63  }
0x4d: {  	_ =	swait.ge [sflag:s25], $0x8000  }
0x4e: {  	[sflag:s25] =	ssyncset.done $0x0  }
0x4f: {  	s8 =	simm.s32 $0x600;
	[sflag:s25] =	ssyncadd.s32 $0xFFFF8000  }
0x50: {  	[tilespmem:s22], [sflag:$0x5] =	stream.indirect.gather [hbm4b:s4+s14], $0x40, s8, s14, $0xb8;
	[tilespmem:$0x16400] =	vst v63  }
0x51: {  	s9 =	simm.s32 $0x680  }
0x52: {  	[tilespmem:s24], [sflag:$0x6] =	stream.indirect.gather [hbm4b:s4+s14], $0x40, s9, s14, $0xb8;
	[tilespmem:$0x16400] =	vst v63  }
0x53: {  	s12 =	simm.s32 $0x700  }
0x54: {  	[tilespmem:s26], [sflag:$0x7] =	stream.indirect.gather [hbm4b:s4+s14], $0x40, s12, s14, $0xb8;
	[tilespmem:$0x16400] =	vst v63  }
0x55: {  	s13 =	simm.s32 $0x780  }
0x56: {  	[tilespmem:s29], [sflag:$0x8] =	stream.indirect.gather [hbm4b:s4+s14], $0x40, s13, s14, $0xb8;
	[tilespmem:$0x16400] =	vst v63  }
0x57: {  	_ =	swait.ge [sflag:s30], $0x2000  }
0x58: {  	[sflag:s30] =	ssyncset.done $0x0  }
0x59: {  	[sflag:s30] =	ssyncadd.s32 $0xFFFFE000  }
0x5a: {  	_ =	swait.ge [sflag:s31], $0x2000  }
0x5b: {  	[sflag:s31] =	ssyncset.done $0x0  }
0x5c: {  	[sflag:s31] =	ssyncadd.s32 $0xFFFFE000  }
0x5d: {  	_ =	swait.ge [sflag:s1], $0x2000  }
0x5e: {  	[sflag:s1] =	ssyncset.done $0x0  }
0x5f: {  	[sflag:s1] =	ssyncadd.s32 $0xFFFFE000  }
0x60: {  	_ =	swait.ge [sflag:s0], $0x2000  }
0x61: {  	s7 =	sshrl.u32 s11, $0x3;
	[sflag:s0] =	ssyncset.done $0x0  }
0x62: {  	s6 =	sadd.s32 s2, s7;
	[sflag:s0] =	ssyncadd.s32 $0xFFFFE000  }
0x63: {  	[hbm4b:s6+s3] =	stream.linear.scatter [tilespmem:s15], [sflag:$0x9], $0x8000, $0x38;
	[tilespmem:$0x16400] =	vst v63  }
0x64: {  	_ =	swait.ge [sflag:s17], $0x8000  }
0x65: {  	[sflag:s17] =	ssyncset.done $0x0  }
0x66: {  	s8 =	simm.s32 $0x800;
	[sflag:s17] =	ssyncadd.s32 $0xFFFF8000  }
0x67: {  	[tilespmem:s15], [sflag:$0x1] =	stream.indirect.gather [hbm4b:s4+s14], $0x40, s8, s14, $0xb8;
	[tilespmem:$0x16400] =	vst v63  }
0x68: {  	s9 =	simm.s32 $0x880  }
0x69: {  	[tilespmem:s16], [sflag:$0x2] =	stream.indirect.gather [hbm4b:s4+s14], $0x40, s9, s14, $0xb8;
	[tilespmem:$0x16400] =	vst v63  }
0x6a: {  	s12 =	simm.s32 $0x900  }
0x6b: {  	[tilespmem:s18], [sflag:$0x3] =	stream.indirect.gather [hbm4b:s4+s14], $0x40, s12, s14, $0xb8;
	[tilespmem:$0x16400] =	vst v63  }
0x6c: {  	s13 =	simm.s32 $0x980  }
0x6d: {  	[tilespmem:s20], [sflag:$0x4] =	stream.indirect.gather [hbm4b:s4+s14], $0x40, s13, s14, $0xb8;
	[tilespmem:$0x16400] =	vst v63  }
0x6e: {  	_ =	swait.ge [sflag:s28], $0x2000  }
0x6f: {  	[sflag:s28] =	ssyncset.done $0x0  }
0x70: {  	[sflag:s28] =	ssyncadd.s32 $0xFFFFE000  }
0x71: {  	_ =	swait.ge [sflag:s19], $0x2000  }
0x72: {  	[sflag:s19] =	ssyncset.done $0x0  }
0x73: {  	[sflag:s19] =	ssyncadd.s32 $0xFFFFE000  }
0x74: {  	_ =	swait.ge [sflag:s21], $0x2000  }
0x75: {  	[sflag:s21] =	ssyncset.done $0x0  }
0x76: {  	[sflag:s21] =	ssyncadd.s32 $0xFFFFE000  }
0x77: {  	_ =	swait.ge [sflag:s23], $0x2000  }
0x78: {  	s6 =	simm.s32 $0x1000;
	s8 =	sadd.s32 $0x10000, s11;
	[sflag:s23] =	ssyncset.done $0x0  }
0x79: {  	s9 =	sadd.s32 $0x2000, s10;
	s12 =	smov.u32 s10;
	[sflag:s23] =	ssyncadd.s32 $0xFFFFE000  }
.LBB2_2:
0x7a: {  	[hbm4b:s12+s3] =	stream.linear.scatter [tilespmem:s22], [sflag:$0xA], $0x8000, $0x38;
	[tilespmem:$0x16400] =	vst v63  }
0x7b: {  	s7 =	smov.u32 s6;
	s12 =	smov.u32 s9  }
0x7c: {  	p0 =	sne.s32 s6, $0x16000;
	s6 =	sadd.s32 $0x1000, s6;
	_ =	swait.ge [sflag:s25], $0x8000  }
0x7d: {  	s7 =	sshra.s32 s7, $0x2;
	[sflag:s25] =	ssyncset.done $0x0  }
0x7e: {  	s13 =	sadd.s32 $0x600, s7;
	[sflag:s25] =	ssyncadd.s32 $0xFFFF8000  }
0x7f: {  	[tilespmem:s22], [sflag:$0x5] =	stream.indirect.gather [hbm4b:s4+s14], $0x40, s13, s14, $0xb8;
	[tilespmem:$0x16400] =	vst v63  }
0x80: {  	s13 =	sadd.s32 $0x680, s7  }
0x81: {  	[tilespmem:s24], [sflag:$0x6] =	stream.indirect.gather [hbm4b:s4+s14], $0x40, s13, s14, $0xb8;
	[tilespmem:$0x16400] =	vst v63  }
0x82: {  	s13 =	sadd.s32 $0x700, s7  }
0x83: {  	[tilespmem:s26], [sflag:$0x7] =	stream.indirect.gather [hbm4b:s4+s14], $0x40, s13, s14, $0xb8;
	[tilespmem:$0x16400] =	vst v63  }
0x84: {  	s13 =	sadd.s32 $0x780, s7  }
0x85: {  	[tilespmem:s29], [sflag:$0x8] =	stream.indirect.gather [hbm4b:s4+s14], $0x40, s13, s14, $0xb8;
	[tilespmem:$0x16400] =	vst v63  }
0x86: {  	_ =	swait.ge [sflag:s30], $0x2000  }
0x87: {  	[sflag:s30] =	ssyncset.done $0x0  }
0x88: {  	[sflag:s30] =	ssyncadd.s32 $0xFFFFE000  }
0x89: {  	_ =	swait.ge [sflag:s31], $0x2000  }
0x8a: {  	[sflag:s31] =	ssyncset.done $0x0  }
0x8b: {  	[sflag:s31] =	ssyncadd.s32 $0xFFFFE000  }
0x8c: {  	_ =	swait.ge [sflag:s1], $0x2000  }
0x8d: {  	[sflag:s1] =	ssyncset.done $0x0  }
0x8e: {  	[sflag:s1] =	ssyncadd.s32 $0xFFFFE000  }
0x8f: {  	_ =	swait.ge [sflag:s0], $0x2000  }
0x90: {  	s13 =	sshrl.u32 s8, $0x3;
	[sflag:s0] =	ssyncset.done $0x0  }
0x91: {  	s13 =	sadd.s32 s2, s13;
	[sflag:s0] =	ssyncadd.s32 $0xFFFFE000  }
0x92: {  	[hbm4b:s13+s3] =	stream.linear.scatter [tilespmem:s15], [sflag:$0x9], $0x8000, $0x38;
	[tilespmem:$0x16400] =	vst v63  }
0x93: {  	_ =	swait.ge [sflag:s17], $0x8000  }
0x94: {  	[sflag:s17] =	ssyncset.done $0x0  }
0x95: {  	s13 =	sadd.s32 $0x800, s7;
	[sflag:s17] =	ssyncadd.s32 $0xFFFF8000  }
0x96: {  	[tilespmem:s15], [sflag:$0x1] =	stream.indirect.gather [hbm4b:s4+s14], $0x40, s13, s14, $0xb8;
	[tilespmem:$0x16400] =	vst v63  }
0x97: {  	s13 =	sadd.s32 $0x880, s7  }
0x98: {  	[tilespmem:s16], [sflag:$0x2] =	stream.indirect.gather [hbm4b:s4+s14], $0x40, s13, s14, $0xb8;
	[tilespmem:$0x16400] =	vst v63  }
0x99: {  	s13 =	sadd.s32 $0x900, s7  }
0x9a: {  	[tilespmem:s18], [sflag:$0x3] =	stream.indirect.gather [hbm4b:s4+s14], $0x40, s13, s14, $0xb8;
	[tilespmem:$0x16400] =	vst v63  }
0x9b: {  	s7 =	sadd.s32 $0x980, s7  }
0x9c: {  	[tilespmem:s20], [sflag:$0x4] =	stream.indirect.gather [hbm4b:s4+s14], $0x40, s7, s14, $0xb8;
	[tilespmem:$0x16400] =	vst v63  }
0x9d: {  	_ =	swait.ge [sflag:s28], $0x2000  }
0x9e: {  	[sflag:s28] =	ssyncset.done $0x0  }
0x9f: {  	[sflag:s28] =	ssyncadd.s32 $0xFFFFE000  }
0xa0: {  	_ =	swait.ge [sflag:s19], $0x2000  }
0xa1: {  	[sflag:s19] =	ssyncset.done $0x0  }
0xa2: {  	[sflag:s19] =	ssyncadd.s32 $0xFFFFE000  }
0xa3: {  	_ =	swait.ge [sflag:s21], $0x2000  }
.Ltmp0:
0xa4: {  	[sflag:s21] =	ssyncset.done $0x0;
	(pc) =	sbr.rel @p0 .LBB2_2-.Ltmp0, $4  }
0xa5: {  	[sflag:s21] =	ssyncadd.s32 $0xFFFFE000  }
0xa6: {  	_ =	swait.ge [sflag:s23], $0x2000  }
0xa7: {  	[sflag:s23] =	ssyncset.done $0x0  }
0xa8: {  	s9 =	sadd.s32 $0x2000, s9;
	s8 =	sadd.s32 $0x10000, s8;
	[sflag:s23] =	ssyncadd.s32 $0xFFFFE000  }
0xa9: {  	[hbm4b:s12+s3] =	stream.linear.scatter [tilespmem:s22], [sflag:$0xA], $0x8000, $0x38;
	[tilespmem:$0x16400] =	vst v63  }
0xaa: {  	_ =	swait.ge [sflag:s25], $0x8000  }
0xab: {  	[sflag:s25] =	ssyncset.done $0x0  }
0xac: {  	s6 =	simm.s32 $0x6200;
	[sflag:s25] =	ssyncadd.s32 $0xFFFF8000  }
0xad: {  	[tilespmem:s22], [sflag:$0x5] =	stream.indirect.gather [hbm4b:s4+s14], $0x40, s6, s14, $0xb8;
	[tilespmem:$0x16400] =	vst v63  }
0xae: {  	s13 =	simm.s32 $0x6280  }
0xaf: {  	[tilespmem:s24], [sflag:$0x6] =	stream.indirect.gather [hbm4b:s4+s14], $0x40, s13, s14, $0xb8;
	[tilespmem:$0x16400] =	vst v63  }
0xb0: {  	s7 =	simm.s32 $0x6300  }
0xb1: {  	[tilespmem:s26], [sflag:$0x7] =	stream.indirect.gather [hbm4b:s4+s14], $0x40, s7, s14, $0xb8;
	[tilespmem:$0x16400] =	vst v63  }
0xb2: {  	s8 =	simm.s32 $0x6380  }
0xb3: {  	[tilespmem:s29], [sflag:$0x8] =	stream.indirect.gather [hbm4b:s4+s14], $0x40, s8, s14, $0xb8;
	[tilespmem:$0x16400] =	vst v63  }
0xb4: {  	_ =	swait.ge [sflag:s30], $0x2000  }
0xb5: {  	[sflag:s30] =	ssyncset.done $0x0  }
0xb6: {  	[sflag:s30] =	ssyncadd.s32 $0xFFFFE000  }
0xb7: {  	_ =	swait.ge [sflag:s31], $0x2000  }
0xb8: {  	[sflag:s31] =	ssyncset.done $0x0  }
0xb9: {  	[sflag:s31] =	ssyncadd.s32 $0xFFFFE000  }
0xba: {  	_ =	swait.ge [sflag:s1], $0x2000  }
0xbb: {  	[sflag:s1] =	ssyncset.done $0x0  }
0xbc: {  	[sflag:s1] =	ssyncadd.s32 $0xFFFFE000  }
0xbd: {  	_ =	swait.ge [sflag:s0], $0x2000  }
0xbe: {  	[sflag:s0] =	ssyncset.done $0x0  }
0xbf: {  	s9 =	rddreg [dreg:$0x7];
	[sflag:s0] =	ssyncadd.s32 $0xFFFFE000  }
0xc0: {  	[hbm4b:s9+s3] =	stream.linear.scatter [tilespmem:s15], [sflag:$0x9], $0x8000, $0x38;
	[tilespmem:$0x16400] =	vst v63  }
0xc1: {  	_ =	swait.ge [sflag:s28], $0x2000  }
0xc2: {  	[sflag:s28] =	ssyncset.done $0x0  }
0xc3: {  	[sflag:s28] =	ssyncadd.s32 $0xFFFFE000  }
0xc4: {  	_ =	swait.ge [sflag:s19], $0x2000  }
0xc5: {  	[sflag:s19] =	ssyncset.done $0x0  }
0xc6: {  	[sflag:s19] =	ssyncadd.s32 $0xFFFFE000  }
0xc7: {  	_ =	swait.ge [sflag:s21], $0x2000  }
0xc8: {  	[sflag:s21] =	ssyncset.done $0x0  }
0xc9: {  	[sflag:s21] =	ssyncadd.s32 $0xFFFFE000  }
0xca: {  	_ =	swait.ge [sflag:s23], $0x2000  }
0xcb: {  	[sflag:s23] =	ssyncset.done $0x0  }
0xcc: {  	s12 =	rddreg [dreg:$0x8];
	[sflag:s23] =	ssyncadd.s32 $0xFFFFE000  }
0xcd: {  	[hbm4b:s12+s3] =	stream.linear.scatter [tilespmem:s22], [sflag:$0xA], $0x8000, $0x38;
	[tilespmem:$0x16400] =	vst v63  }
0xce: {  	_ =	swait.ge [sflag:s17], $0x8000  }
0xcf: {  	[sflag:s17] =	ssyncset.done $0x0  }
0xd0: {  	[sflag:s17] =	ssyncadd.s32 $0xFFFF8000  }
0xd1: {  	_ =	swait.ge [sflag:s25], $0x8000  }
0xd2: {  	s5 =	sadd.s32 $0x1, s5;
	s13 =	rddreg [dreg:$0x4]  }
0xd3: {  	p0 =	sne.s32 s5, s13  }
.Ltmp1:
0xd4: {  	_ = 	snop;
	(pc) =	sbr.rel @p0 .LBB2_1-.Ltmp1, $3  }
0xd5: {  	_ =	sdelay $0x1  }
0xd6: {  	[sflag:s25] =	ssyncset.done $0x0  }
0xd7: {  	[sflag:s25] =	ssyncadd.s32 $0xFFFF8000  }
0xd8: {  	_ =	sfence.sel $0x180000  }
0xd9: {  	[bflag:$0x0] =	sbarrier.arrive $0xFFFF  }
0xda: {  	_ =	strace $0x90000047  }
0xdb: {  	s0 =	stileid.u32;
	[bflag:$0x2] =	sbarrier.arrive $0xFFFF  }
0xdc: {  	p0 =	sne.s32 s0, $0x0;
	s0 =	rddreg [dreg:$0x2]  }
0xdd: {  	s0 =	sadd.s32 @!p0 $0x100000, s0  }
0xde: {  	[sflag:s0] =	ssyncadd.tile.s32 @!p0 $0x1;
	_ =	shalt  }
.Lfunc_end2:
_tile_overlayer_lowered:
.L_overlay_start_2:
0xdf: {  	(tag) =	ssettag $0x2  }
0xe0: {  	s0 =	rddreg [dreg:$0x0];
	s2 =	stileid.u32  }
0xe1: {  	s1 =	rddreg [dreg:$0x1];
	p0 =	sne.s32 s2, $0x0  }
0xe2: {  	s3 =	rddreg [dreg:$0x2];
	[bflag:$0x3] =	sbarrier.arrive $0xFFFF;
	s2 =	simm.s32 @!p0 $0x1C0B  }
0xe3: {  	[timem:s3], [sflag:s2] =	dma.local @!p0 [hbm:s0], s1  }
0xe4: {  	s0 =	simm.s32 @!p0 $0xB  }
0xe5: {  	_ =	swait.ge @!p0 [sflag:s0], s1  }
0xe6: {  	s1 =	ssub.s32 @!p0 $0x0, s1;
	[sflag:s0] =	ssyncset.done @!p0 $0x0  }
0xe7: {  	[sflag:s0] =	ssyncadd.s32 @!p0 s1  }
0xe8: {  	[bflag:$0x3] =	sbarrier.arrive $0xFFFF  }
0xe9: {  	_ =	shalt  }

// kernel: sparse-core-data-format-call.cloned.1.call-start
scs
called_computation_lowered:
.L_overlay_start_0:
0x0: {  	s2 =	sld [smem:$0x3FD9]  }
0x1: {  	s3 =	sld [smem:$0x3FFE];
	_ =	sdelay $0x1  }
0x2: {  	s1 =	srdreg.scid  }
0x3: {  	s0 =	sand.u32 $0x1, s1  }
0x4: {  	s18 =	sshll.u32 s0, $0xA;
	s2 =	sadd.s32 s3, s2  }
0x5: {  	s2 =	sadd.s32 s2, s18  }
0x6: {  	[smem:$0x3FC6] =	sst s2  }
0x7: {  	_ = 	snop  }
0x8: {  	s2 =	sld [smem:$0x3FD0];
	(tm) =	ssettm $0x1  }
0x9: {  	s19 =	sld [smem:$0x3FFB];
	_ =	sdelay $0x3  }
0xa: {  	_ =	strace s19  }
0xb: {  	s3 =	sld [smem:$0x3FFC];
	_ =	sdelay $0x3  }
0xc: {  	_ =	strace s3  }
0xd: {  	s3 =	sld [smem:$0x3FFD];
	_ =	sdelay $0x3  }
0xe: {  	_ =	strace s3  }
0xf: {  	_ =	strace $0x8FFFFFFF  }
0x10: {  	s20 =	sld [smem:$0x3FDB];
	_ =	sdelay $0x1  }
0x11: {  	s4 =	simm.s32 $_scs_section_size  }
0x12: {  	s5 =	simm.s32 $_size__tile_overlayer_lowered;
	s6 =	simm.s32 $_tile_overlayer_lowered  }
0x13: {  	s23 =	simm.s32 $0x1BFF;
	s22 =	sshll.u32 s6, $0x1;
	s3 =	sadd.s32 s4, s20  }
0x14: {  	s7 =	simm.s32 $0x0;
	s21 =	sshll.u32 s5, $0x1;
	s5 =	sadd.s32 s22, s3  }
0x15: {  	[timem:s7], [sflag:s23] =	dma.local [hbm:s5], s21  }
0x16: {  	_ =	swait.ge [sflag:s23], s21  }
0x17: {  	s4 =	ssub.s32 $0x0, s21;
	[sflag:s23] =	ssyncset.done $0x0  }
0x18: {  	[sflag:s23] =	ssyncadd.s32 s4;
	_ =	sdelay $0x1  }
0x19: {  	s24 =	simm.s32 $0x1B8B  }
0x1a: {  	_ =	swait.ge [sflag:s24], $0x1  }
0x1b: {  	[sflag:s24] =	ssyncset.done $0x0  }
0x1c: {  	s26 =	simm.s32 $0x1B8E;
	s25 =	sld [smem:$0x3FFE];
	[sflag:s24] =	ssyncadd.s32 $0xFFFFFFFF  }
0x1d: {  	s27 =	simm.s32 $execute0_lowered;
	[smem:$0x3FD2] =	sst s26  }
0x1e: {  	s5 =	sshll.u32 s27, $0x1;
	_ =	strace $0x80000049;
	[dreg:$0x1] =	wrdreg $0xFFFFFFFF  }
0x1f: {  	s28 =	simm.s32 $_size_execute0_lowered;
	s3 =	sadd.s32 s3, s5;
	[dreg:$0x0] =	wrdreg $0x0  }
0x20: {  	s5 =	sshll.u32 s28, $0x1;
	[dreg:$0x2] =	wrdreg s3  }
0x21: {  	[dreg:$0x3] =	wrdreg s5  }
0x22: {  	[dreg:$0x4] =	wrdreg $0xC0  }
0x23: {  	_ =	task [dreg:s7], $0x5FFFF  }
0x24: {  	[dreg:$0x1] =	wrdreg $0xFFFFFFFF  }
0x25: {  	[dreg:$0x0] =	wrdreg $0x60  }
0x26: {  	[dreg:$0x2] =	wrdreg s25  }
0x27: {  	[dreg:$0x3] =	wrdreg s2  }
0x28: {  	[dreg:$0x4] =	wrdreg $0x9  }
0x29: {  	_ =	task.clear_ibuf [dreg:s7], $0x5FFFF;
	_ =	strace $0x90000049  }
0x2a: {  	s29 =	simm.s32 $0x9;
	_ =	strace $0x8000004B  }
0x2b: {  	_ =	swait.ge [sflag:s29], $0x1  }
0x2c: {  	[sflag:s29] =	ssyncadd.s32 $0xFFFFFFFF  }
0x2d: {  	_ =	strace $0x9000004B  }
0x2e: {  	_ =	sfence  }
0x2f: {  	s30 =	sld [smem:$0x0];
	_ =	sdelay $0x2  }
0x30: {  	s31 =	sshll.u32 s1, $0xD;
	s1 =	sshrl.u32 s1, $0x2  }
0x31: {  	s3 =	sand.u32 $0x4000, s31;
	s1 =	sadd.s32 s1, s30  }
0x32: {  	s0 =	sor.u32 s3, s0;
	s1 =	sshll.u32 s1, $0x11  }
0x33: {  	s0 =	sor.u32 s1, s0  }
0x34: {  	s0 =	sadd.s32 $0x8F2B, s0  }
0x35: {  	[sflag:s0] =	ssyncadd.remote.s32 $0x1  }
0x36: {  	_ =	sfence.sel $0xFFFF  }
0x37: {  	[dreg:$0x0] =	wrdreg $0xFFFFFFFF;
	(pc) =	sbr.abs _section_cstart, $3  }
0x38: {  	[dreg:$0x1] =	wrdreg $0xFFFFFFFF  }
0x39: {  	_ =	task.clear_ibuf [dreg:s7], $0x2FFFF;
	_ =	strace $0x9FFFFFFF  }
0x3a: {  	(tm) =	ssettm $0x7FFFFFFF  }
0x3b: {  	_ =	shalt  }
tec
execute0_lowered:
.L_overlay_start_1:
0x0: {  	(tag) =	ssettag $0x1  }
0x1: {  	s0 =	srdreg.scid  }
0x2: {  	s1 =	sshll.u32 s0, $0x4  }
0x3: {  	s0 =	stileid.u32;
	s1 =	sand.u32 $0x10, s1  }
0x4: {  	s1 =	sor.u32 s0, s1  }
0x5: {  	s6 =	rddreg [dreg:$0x0];
	s4 =	simm.s32 $0x1;
	s2 =	sshll.u32 s1, $0x7  }
0x6: {  	s7 =	simm.s32 $0x2;
	s12 =	simm.s32 $0x0;
	s1 =	ssub.s32 $0x1000, s2  }
0x7: {  	s8 =	simm.s32 $0x8000;
	s13 =	simm.s32 $0x0;
	s3 =	sand.u32 $0xF80, s1  }
0x8: {  	s9 =	simm.s32 $0x0;
	s5 =	sshrl.u32 s1, $0xC;
	p0 =	sne.s32 s3, $0x0  }
.Ltmp0:
0x9: {  	s1 =	rddreg [dreg:$0x2];
	s4 =	simm.s32 @!p0 $0x0;
	(pc) =	sbr.rel .LBB1_1-.Ltmp0, $4  }
0xa: {  	s11 =	simm.s32 $0x0;
	s3 =	rddreg [dreg:$0x1];
	s5 =	sadd.s32 s4, s5  }
0xb: {  	_ =	strace $0x8000004A;
	s4 =	simm.s32 $0x1;
	s5 =	smul.u32 $0xC8, s5  }
0xc: {  	s6 =	sadd.s32 $0xA00, s6;
	s10 =	smov.u32 s2;
	[sflag:s4] =	ssyncpa.u1 $0x0  }
0xd: {  	p0 =	por $0x0, $0x0;
	[sflag:s7] =	ssyncpa.u1 $0x0;
	s7 =	sor.u32 $0x1, s5  }
.LBB1_4:
0xe: {  	s16 =	sshll.u32 s13, $0x3;
	s17 =	sand.u32 $0x78, s13  }
0xf: {  	s30 =	sand.u32 $0x7E00, s13;
	s12 =	sshll.u32 s12, $0xF;
	s16 =	sand.u32 $0xC00, s16  }
0x10: {  	[tilespmem:s15+$0x810 ss:$0x81] =	vst.msk $0xffff, v2;
	s31 =	sand.u32 $0x7, s13;
	s16 =	sor.u32 s17, s16;
	s17 =	sadd.s32 s3, s30  }
0x11: {  	[tilespmem:s15+$0x1020 ss:$0x81] =	vst.msk $0xffff, v0;
	s13 =	sshll.u32 s31, $0x12;
	s12 =	sadd.s32 s12, s17;
	s16 =	sshrl.u32 s16, $0x3  }
0x12: {  	[tilespmem:s15+$0x0 ss:$0x81] =	vst.msk $0xffff, v1;
	s13 =	sor.u32 $0x400, s13;
	s12 =	sadd.s32 s16, s12  }
0x13: {  	[hbm4b:s12+s13] =	stream.strided.scatter [tilespmem:s14], [sflag:$0x2], $0x2000, s8, s13, $0x20;
	[tilespmem:$0x8080] =	vst v63  }
.LBB1_5:
0x14: {  	s14 =	sadd.s32 $0x1, s9  }
0x15: {  	s12 =	sadd.s32 $0x1000, s10;
	s16 =	smov.u32 s10;
	p2 =	sgt.s32 s14, $0xC7  }
0x16: {  	s16 =	smov.u32 @p2 s12  }
0x17: {  	s14 =	simm.s32 @p2 $0x0;
	p2 =	sgt.s32 s16, $0xFFF  }
0x18: {  	s16 =	smov.u32 @p2 s2;
	p2 =	sne.s32 s11, s7  }
.Ltmp1:
0x19: {  	p1 =	slt.u32 s11, $0x2;
	(pc) =	sbr.rel @!p2 .LBB1_6-.Ltmp1, $4  }
0x1a: {  	s15 =	simm.s32 @!p1 $0x2  }
0x1b: {  	s13 =	smov.u32 s10;
	p0 =	por !p0, !p0;
	_ =	swait.ge @!p1 [sflag:s15], $0x2000  }
0x1c: {  	s12 =	smov.u32 s9;
	[sflag:s15] =	ssyncset.done @!p1 $0x0;
	s9 =	smov.u32 s14  }
0x1d: {  	s11 =	sadd.s32 $0x1, s11;
	[sflag:s15] =	ssyncadd.s32 @!p1 $0xFFFFE000;
	s10 =	smov.u32 s16  }
.LBB1_1:
0x1e: {  	p1 =	sge.u32 s11, s5  }
0x1f: {  	s14 =	sand.u32 @!p1 $0x1FFFFFF, s9  }
0x20: {  	s15 =	smulhi.u32 @!p1 $0x147AE15, s14;
	_ =	sdelay $0x1  }
0x21: {  	s15 =	smul.u32 @!p1 $0xC8, s15  }
0x22: {  	s16 =	sxor.u32 @!p1 $0xFFFFFFFF, s11;
	s17 =	smul.u32 @!p1 $0xC80, s10  }
0x23: {  	s31 =	sadd.s32 $0xFFFFFFFF, s11;
	s16 =	sshll.u32 @!p1 s16, $0xD;
	s14 =	ssub.s32 @!p1 s14, s15  }
0x24: {  	s15 =	sand.u32 @!p1 $0x2000, s16;
	s16 =	sadd.s32 @!p1 s6, s17;
	s14 =	sshll.u32 @!p1 s14, $0x4  }
0x25: {  	s17 =	simm.s32 @!p1 $0x6400;
	s14 =	sadd.s32 @!p1 s14, s16;
	s16 =	simm.s32 @!p1 $0x40  }
0x26: {  	[tilespmem:s15], [sflag:$0x1] =	stream.strided.gather @!p1 [hbm4b:s14+s16], $0x2000, s17, s16, $0x38;
	[tilespmem:$0x8080] =	vst v63  }
0x27: {  	p1 =	sge.u32 s31, s5  }
.Ltmp2:
0x28: {  	_ = 	snop;
	(pc) =	sbr.rel @p1 .LBB1_5-.Ltmp2, $1  }
0x29: {  	_ =	sdelay $0x3  }
0x2a: {  	s14 =	simm.s32 $0x1  }
0x2b: {  	_ =	swait.ge [sflag:s4], $0x2000;
	s14 =	simm.s32 @!p0 $0x0  }
0x2c: {  	[sflag:s4] =	ssyncset.done $0x0;
	s15 =	sshll.u32 s14, $0xD  }
0x2d: {  	[sflag:s4] =	ssyncadd.s32 $0xFFFFE000;
	s18 =	sor.u32 $0x20, s15  }
0x2e: {  	s14 =	smul.u32 $0x8100, s14;
	v3 =	vld [tilespmem:s18+$0x10]  }
0x2f: {  	s30 =	sand.u32 $0x1, s11;
	v2 =	vld [tilespmem:s18+$0xFFFFFFF0]  }
0x30: {  	s15 =	smul.u32 $0x8100, s30;
	s14 =	sshrl.u32 s14, $0x2;
	v0 =	vld [tilespmem:s18+$0x0]  }
0x31: {  	v1 =	vld [tilespmem:s18+$0xFFFFFFE0];
	s16 =	sor.u32 $0x4000, s14  }
0x32: {  	s31 =	sshrl.u32 s15, $0x2;
	s15 =	sadd.s32 $0x0, s16  }
0x33: {  	s17 =	simm.s32 $0x4;
	s18 =	sadd.s32 $0x40, s18;
	s14 =	sor.u32 $0x4000, s31;
	[tilespmem:s15+$0x1830 ss:$0x81] =	vst.msk $0xffff, v3  }
.LBB1_3:
0x34: {  	v3 =	vld [tilespmem:s18+$0x10];
	p1 =	sne.s32 s17, $0x1FC;
	[tilespmem:s15+$0x810 ss:$0x81] =	vst.msk $0xffff, v2;
	s19 =	smov.u32 s17;
	s17 =	sadd.s32 $0x4, s17  }
.Ltmp3:
0x35: {  	v2 =	vld [tilespmem:s18+$0xFFFFFFF0];
	[tilespmem:s15+$0x1020 ss:$0x81] =	vst.msk $0xffff, v0;
	(pc) =	sbr.rel @p1 .LBB1_3-.Ltmp3, $4  }
0x36: {  	v0 =	vld [tilespmem:s18+$0x0];
	[tilespmem:s15+$0x0 ss:$0x81] =	vst.msk $0xffff, v1  }
0x37: {  	s15 =	sshra.s32 s19, $0x2;
	v1 =	vld [tilespmem:s18+$0xFFFFFFE0]  }
0x38: {  	s15 =	sadd.s32 s15, s16  }
0x39: {  	s18 =	sadd.s32 $0x40, s18;
	[tilespmem:s15+$0x1830 ss:$0x81] =	vst.msk $0xffff, v3  }
.Ltmp4:
0x3a: {  	_ = 	snop;
	(pc) =	sbr.rel .LBB1_4-.Ltmp4, $1  }
0x3b: {  	_ =	sdelay $0x3  }
.LBB1_6:
0x3c: {  	_ =	sfence.sel $0x180000  }
0x3d: {  	s2 =	simm.s32 $0x1;
	[bflag:$0x0] =	sbarrier.arrive $0xFFFF  }
0x3e: {  	s31 =	simm.s32 $0x2;
	[sflag:s2] =	ssyncpa.u1 $0x1  }
0x3f: {  	[sflag:s31] =	ssyncpa.u1 $0x1  }
0x40: {  	p0 =	sne.s32 s0, $0x0;
	_ =	strace $0x9000004A  }
0x41: {  	s0 =	sadd.s32 @!p0 $0x100000, s1;
	[bflag:$0x2] =	sbarrier.arrive $0xFFFF  }
0x42: {  	[sflag:s0] =	ssyncadd.tile.s32 @!p0 $0x1;
	_ =	shalt  }
.Lfunc_end1:
_tile_overlayer_lowered:
.L_overlay_start_2:
0x43: {  	(tag) =	ssettag $0x2  }
0x44: {  	s0 =	rddreg [dreg:$0x0];
	s2 =	stileid.u32  }
0x45: {  	s1 =	rddreg [dreg:$0x1];
	p0 =	sne.s32 s2, $0x0  }
0x46: {  	s3 =	rddreg [dreg:$0x2];
	[bflag:$0x3] =	sbarrier.arrive $0xFFFF;
	s2 =	simm.s32 @!p0 $0x1C01  }
0x47: {  	[timem:s3], [sflag:s2] =	dma.local @!p0 [hbm:s0], s1  }
0x48: {  	s0 =	simm.s32 @!p0 $0x1  }
0x49: {  	_ =	swait.ge @!p0 [sflag:s0], s1  }
0x4a: {  	s1 =	ssub.s32 @!p0 $0x0, s1;
	[sflag:s0] =	ssyncset.done @!p0 $0x0  }
0x4b: {  	[sflag:s0] =	ssyncadd.s32 @!p0 s1  }
0x4c: {  	[bflag:$0x3] =	sbarrier.arrive $0xFFFF  }
0x4d: {  	_ =	shalt  }

</sc_bundles>
